<compile_context>
chip_gen: v7x
topology: tpu7x:2x2x1
jax: 0.10.2.dev20260603
libtpu: 0.0.44.dev20260713+nightly
codegen_flags: <defaults>
</compile_context>

<pallas_src>
import functools
import math

import jax
import jax.numpy as jnp
from jax import lax
from jax.experimental import pallas as pl
from jax.experimental.pallas import tpu as pltpu
from jax.experimental.pallas import tpu_sc as plsc

D_MODEL = 128
SCALE = math.sqrt(D_MODEL)
NBUF = 5
PREF = 4


@functools.lru_cache(maxsize=None)
def _make_kernel(seq_len, n_seq):
    info = plsc.get_sparse_core_info()
    nw = info.num_cores * info.num_subcores
    assert n_seq % (nw * 8) == 0
    sw = n_seq // nw
    n_chunks = seq_len
    n_outer = n_chunks // NBUF
    assert n_chunks % NBUF == 0 and n_outer >= 2 and sw <= 128
    mesh = plsc.VectorSubcoreMesh(core_axis_name="c", subcore_axis_name="s")

    @functools.partial(
        pl.kernel,
        mesh=mesh,
        out_type=jax.ShapeDtypeStruct((seq_len, n_seq, D_MODEL), jnp.float32),
        scratch_types=(
            [pltpu.VMEM((n_chunks, sw), jnp.int32)]
            + [pltpu.VMEM((sw, D_MODEL), jnp.float32) for _ in range(NBUF)]
            + [pltpu.SemaphoreType.DMA for _ in range(2 * NBUF)]
        ),
    )
    def emb(lut_hbm, idx_hbm, out_hbm, idx_v, *bufs_sems):
        bufs = bufs_sems[:NBUF]
        gsem = bufs_sems[NBUF:2 * NBUF]
        ssem = bufs_sems[2 * NBUF:]
        wid = lax.axis_index("s") * info.num_cores + lax.axis_index("c")
        base = wid * sw
        pltpu.sync_copy(idx_hbm.at[:, pl.ds(base, sw)], idx_v)

        def gather_start(c, b):
            pltpu.async_copy(lut_hbm.at[idx_v.at[c]], bufs[b], gsem[b])

        def gather_wait(b):
            pltpu.make_async_copy(
                lut_hbm.at[idx_v.at[0]], bufs[b], gsem[b]).wait()

        def store_start(c, b):
            pltpu.async_copy(
                bufs[b], out_hbm.at[c, pl.ds(base, sw)], ssem[b])

        def store_wait(b):
            pltpu.make_async_copy(
                bufs[b], out_hbm.at[0, pl.ds(base, sw)], ssem[b]).wait()

        for b in range(PREF):
            gather_start(b, b)

        def iter_body(j, carry):
            for b in range(NBUF):
                c = j * NBUF + b
                tb = (b + PREF) % NBUF
                if b < NBUF - PREF:
                    @pl.when(j >= 1)
                    def _():
                        store_wait(tb)
                    gather_start(c + PREF, tb)
                else:
                    @pl.when(j <= n_outer - 2)
                    def _():
                        store_wait(tb)
                        gather_start(c + PREF, tb)
                gather_wait(b)
                buf = bufs[b]

                @plsc.parallel_loop(0, sw, unroll=2)
                def _(r):
                    for g in range(D_MODEL // 16):
                        sl = pl.ds(g * 16, 16)
                        buf[r, sl] = buf[r, sl] * SCALE

                store_start(c, b)
            return carry

        lax.fori_loop(0, n_outer, iter_body, 0)
        for b in range(NBUF):
            store_wait(b)

    return emb


@jax.jit
def kernel(x, lut):
    n_seq, seq_len = x.shape
    xt = x.T.astype(jnp.int32)
    out_t = _make_kernel(seq_len, n_seq)(lut, xt)
    return jnp.transpose(out_t, (1, 0, 2))

# --- scband reference (transcript-rebuilt; emitter-appended) ---
"""Pipeline reference for scband-embeddings-78941498901042 (READ-ONLY COPY).

The authoritative reference and input builder live on the scoring server;
editing this copy changes nothing except your own understanding.
"""

import jax, jax.numpy as jnp
import numpy as np
import math

D_MODEL = 128
VOCAB = 100000

def setup_inputs(seed: int = 0) -> dict:
    key = jax.random.key(seed)
    k1, k2 = jax.random.split(key)
    x = jax.random.randint(k1, (4096, 50), 0, VOCAB, dtype=jnp.int64) if jax.config.jax_enable_x64 else jax.random.randint(k1, (4096, 50), 0, VOCAB, dtype=jnp.int32)
    # Embedding table parameter (torch nn.Embedding default init ~ N(0,1))
    lut = jax.random.normal(k2, (VOCAB, D_MODEL), dtype=jnp.float32)
    return {"x": x, "lut": lut}

def reference(x, lut):
    # Faithful translation: embedding gather then scale by sqrt(d_model)
    emb = jnp.take(lut, x, axis=0)
    return emb * math.sqrt(D_MODEL)

if __name__ == "__main__":
    import jax
    _d = setup_inputs()
    print(jax.jit(kernel)(*tuple(_d.values())))

</pallas_src>

<mosaic_0001>
#map = affine_map<(d0, d1) -> (0, 0)>
#map1 = affine_map<(d0, d1) -> (0, 0, 0)>
module attributes {stable_mosaic.version = 14 : i64} {
  func.func @emb(%arg0: i32, %arg1: i32, %arg2: memref<100000x128xf32, #tpu.memory_space<hbm>>, %arg3: memref<50x4096xi32, #tpu.memory_space<hbm>>, %arg4: memref<50x4096x128xf32, #tpu.memory_space<hbm>>, %arg5: memref<50x128xi32, #tpu.memory_space<vmem>>, %arg6: memref<128x128xf32, #tpu.memory_space<vmem>>, %arg7: memref<128x128xf32, #tpu.memory_space<vmem>>, %arg8: memref<128x128xf32, #tpu.memory_space<vmem>>, %arg9: memref<128x128xf32, #tpu.memory_space<vmem>>, %arg10: memref<128x128xf32, #tpu.memory_space<vmem>>, %arg11: memref<!tpu.dma_semaphore, #tpu.memory_space<semaphore_mem>>, %arg12: memref<!tpu.dma_semaphore, #tpu.memory_space<semaphore_mem>>, %arg13: memref<!tpu.dma_semaphore, #tpu.memory_space<semaphore_mem>>, %arg14: memref<!tpu.dma_semaphore, #tpu.memory_space<semaphore_mem>>, %arg15: memref<!tpu.dma_semaphore, #tpu.memory_space<semaphore_mem>>, %arg16: memref<!tpu.dma_semaphore, #tpu.memory_space<semaphore_mem>>, %arg17: memref<!tpu.dma_semaphore, #tpu.memory_space<semaphore_mem>>, %arg18: memref<!tpu.dma_semaphore, #tpu.memory_space<semaphore_mem>>, %arg19: memref<!tpu.dma_semaphore, #tpu.memory_space<semaphore_mem>>, %arg20: memref<!tpu.dma_semaphore, #tpu.memory_space<semaphore_mem>>) attributes {dimension_semantics = [#tpu.dimension_semantics<core_parallel>, #tpu.dimension_semantics<subcore_parallel>], iteration_bounds = array<i64: 2, 16>, scalar_prefetch = 0 : i64, scratch_operands = 16 : i64, tpu.core_type = #tpu.core_type<sc_vector_subcore>, window_params = [{transform_indices = #map}, {transform_indices = #map}, {transform_indices = #map1}]} {
    %mul3A = arith.constant 2 : i32
    %mul3A_0 = arith.muli %arg1, %mul3A : i32
    %add3A = arith.addi %mul3A_0, %arg0 : i32
    %mul3A_1 = arith.constant 128 : i32
    %mul3A_2 = arith.muli %add3A, %mul3A_1 : i32
    "tpu.region"() ({
      %run_scoped3A = tpu.sem_alloc : memref<!tpu.dma_semaphore, #tpu.memory_space<semaphore_mem>>
      %dma_start3A_69 = arith.constant 0 : i32
      %dma_start3A_70 = tpu.memref_slice %arg3[%dma_start3A_69, %mul3A_2] : memref<50x4096xi32, #tpu.memory_space<hbm>> -> memref<50x128xi32, #tpu.memory_space<hbm>>
      %dma_start3A_71 = arith.constant 0 : i32
      %dma_start3A_72 = tpu.memref_slice %arg3[%dma_start3A_71, %mul3A_2] : memref<50x4096xi32, #tpu.memory_space<hbm>> -> memref<50x128xi32, #tpu.memory_space<hbm>>
      tpu.enqueue_dma source(%dma_start3A_72 : memref<50x128xi32, #tpu.memory_space<hbm>>) target(%arg5 : memref<50x128xi32, #tpu.memory_space<vmem>>) target_semaphore(%run_scoped3A : memref<!tpu.dma_semaphore, #tpu.memory_space<semaphore_mem>>)
      %dma_wait3A_73 = arith.constant 0 : i32
      %dma_wait3A_74 = tpu.memref_slice %arg3[%dma_wait3A_73, %mul3A_2] : memref<50x4096xi32, #tpu.memory_space<hbm>> -> memref<50x128xi32, #tpu.memory_space<hbm>>
      %dma_wait3A_75 = arith.constant 0 : i32
      %dma_wait3A_76 = tpu.memref_slice %arg3[%dma_wait3A_75, %mul3A_2] : memref<50x4096xi32, #tpu.memory_space<hbm>> -> memref<50x128xi32, #tpu.memory_space<hbm>>
      tpu.wait_dma2 semaphore(%run_scoped3A : memref<!tpu.dma_semaphore, #tpu.memory_space<semaphore_mem>>) src(%dma_wait3A_76 : memref<50x128xi32, #tpu.memory_space<hbm>>) dst(%arg5 : memref<50x128xi32, #tpu.memory_space<vmem>>)
      tpu.yield
    }) : () -> ()
    %dma_start3A = arith.constant 0 : i32
    %dma_start3A_3 = arith.constant 0 : i32
    %dma_start3A_4 = tpu.memref_slice %arg5[%dma_start3A, %dma_start3A_3] : memref<50x128xi32, #tpu.memory_space<vmem>> -> memref<1x128xi32, #tpu.memory_space<vmem>>
    %dma_start3A_5 = tpu.memref_squeeze %dma_start3A_4 : memref<1x128xi32, #tpu.memory_space<vmem>> -> memref<128xi32, #tpu.memory_space<vmem>>
    %dma_start3A_6 = arith.constant 0 : i32
    %dma_start3A_7 = arith.constant 0 : i32
    %dma_start3A_8 = tpu.memref_slice %arg2[%dma_start3A_6, %dma_start3A_7] : memref<100000x128xf32, #tpu.memory_space<hbm>> -> memref<100000x128xf32, #tpu.memory_space<hbm>>
    tpu.enqueue_indirect_dma source(%dma_start3A_8 : memref<100000x128xf32, #tpu.memory_space<hbm>>) target(%arg6 : memref<128x128xf32, #tpu.memory_space<vmem>>) offsets(%dma_start3A_5 : memref<128xi32, #tpu.memory_space<vmem>>) semaphore(%arg11 : memref<!tpu.dma_semaphore, #tpu.memory_space<semaphore_mem>>)
    %dma_start3A_9 = arith.constant 1 : i32
    %dma_start3A_10 = arith.constant 0 : i32
    %dma_start3A_11 = tpu.memref_slice %arg5[%dma_start3A_9, %dma_start3A_10] : memref<50x128xi32, #tpu.memory_space<vmem>> -> memref<1x128xi32, #tpu.memory_space<vmem>>
    %dma_start3A_12 = tpu.memref_squeeze %dma_start3A_11 : memref<1x128xi32, #tpu.memory_space<vmem>> -> memref<128xi32, #tpu.memory_space<vmem>>
    %dma_start3A_13 = arith.constant 0 : i32
    %dma_start3A_14 = arith.constant 0 : i32
    %dma_start3A_15 = tpu.memref_slice %arg2[%dma_start3A_13, %dma_start3A_14] : memref<100000x128xf32, #tpu.memory_space<hbm>> -> memref<100000x128xf32, #tpu.memory_space<hbm>>
    tpu.enqueue_indirect_dma source(%dma_start3A_15 : memref<100000x128xf32, #tpu.memory_space<hbm>>) target(%arg7 : memref<128x128xf32, #tpu.memory_space<vmem>>) offsets(%dma_start3A_12 : memref<128xi32, #tpu.memory_space<vmem>>) semaphore(%arg12 : memref<!tpu.dma_semaphore, #tpu.memory_space<semaphore_mem>>)
    %dma_start3A_16 = arith.constant 2 : i32
    %dma_start3A_17 = arith.constant 0 : i32
    %dma_start3A_18 = tpu.memref_slice %arg5[%dma_start3A_16, %dma_start3A_17] : memref<50x128xi32, #tpu.memory_space<vmem>> -> memref<1x128xi32, #tpu.memory_space<vmem>>
    %dma_start3A_19 = tpu.memref_squeeze %dma_start3A_18 : memref<1x128xi32, #tpu.memory_space<vmem>> -> memref<128xi32, #tpu.memory_space<vmem>>
    %dma_start3A_20 = arith.constant 0 : i32
    %dma_start3A_21 = arith.constant 0 : i32
    %dma_start3A_22 = tpu.memref_slice %arg2[%dma_start3A_20, %dma_start3A_21] : memref<100000x128xf32, #tpu.memory_space<hbm>> -> memref<100000x128xf32, #tpu.memory_space<hbm>>
    tpu.enqueue_indirect_dma source(%dma_start3A_22 : memref<100000x128xf32, #tpu.memory_space<hbm>>) target(%arg8 : memref<128x128xf32, #tpu.memory_space<vmem>>) offsets(%dma_start3A_19 : memref<128xi32, #tpu.memory_space<vmem>>) semaphore(%arg13 : memref<!tpu.dma_semaphore, #tpu.memory_space<semaphore_mem>>)
    %dma_start3A_23 = arith.constant 3 : i32
    %dma_start3A_24 = arith.constant 0 : i32
    %dma_start3A_25 = tpu.memref_slice %arg5[%dma_start3A_23, %dma_start3A_24] : memref<50x128xi32, #tpu.memory_space<vmem>> -> memref<1x128xi32, #tpu.memory_space<vmem>>
    %dma_start3A_26 = tpu.memref_squeeze %dma_start3A_25 : memref<1x128xi32, #tpu.memory_space<vmem>> -> memref<128xi32, #tpu.memory_space<vmem>>
    %dma_start3A_27 = arith.constant 0 : i32
    %dma_start3A_28 = arith.constant 0 : i32
    %dma_start3A_29 = tpu.memref_slice %arg2[%dma_start3A_27, %dma_start3A_28] : memref<100000x128xf32, #tpu.memory_space<hbm>> -> memref<100000x128xf32, #tpu.memory_space<hbm>>
    tpu.enqueue_indirect_dma source(%dma_start3A_29 : memref<100000x128xf32, #tpu.memory_space<hbm>>) target(%arg9 : memref<128x128xf32, #tpu.memory_space<vmem>>) offsets(%dma_start3A_26 : memref<128xi32, #tpu.memory_space<vmem>>) semaphore(%arg14 : memref<!tpu.dma_semaphore, #tpu.memory_space<semaphore_mem>>)
    %scan3A = arith.constant 0 : i32
    %scan3A_30 = arith.constant 0 : i32
    %scan3A_31 = arith.constant 10 : i32
    %scan3A_32 = arith.addi %scan3A_30, %scan3A_31 : i32
    %scan3A_33 = arith.constant 1 : i32
    scf.for %scan3A_69 = %scan3A_30 to %scan3A_32 step %scan3A_33  : i32 {
      %mul3A_70 = arith.constant 5 : i32
      %mul3A_71 = arith.muli %scan3A_69, %mul3A_70 : i32
      %add3A_72 = arith.constant 0 : i32
      %add3A_73 = arith.addi %mul3A_71, %add3A_72 : i32
      %ge3A = arith.constant 1 : i32
      %ge3A_74 = arith.cmpi sge, %scan3A_69, %ge3A : i32
      %convert_element_type3A = arith.extui %ge3A_74 : i1 to i32
      %cond3A = arith.constant 0 : i32
      %cond3A_75 = arith.cmpi ne, %convert_element_type3A, %cond3A : i32
      scf.if %cond3A_75 {
        %dma_wait3A_198 = arith.constant 0 : i32
        %dma_wait3A_199 = arith.constant 0 : i32
        %dma_wait3A_200 = tpu.memref_slice %arg4[%dma_wait3A_198, %mul3A_2, %dma_wait3A_199] : memref<50x4096x128xf32, #tpu.memory_space<hbm>> -> memref<1x128x128xf32, #tpu.memory_space<hbm>>
        %dma_wait3A_201 = tpu.memref_squeeze %dma_wait3A_200 : memref<1x128x128xf32, #tpu.memory_space<hbm>> -> memref<128x128xf32, #tpu.memory_space<hbm>>
        %dma_wait3A_202 = arith.constant 0 : i32
        %dma_wait3A_203 = tpu.memref_slice %arg4[%dma_wait3A_198, %mul3A_2, %dma_wait3A_202] : memref<50x4096x128xf32, #tpu.memory_space<hbm>> -> memref<1x128x128xf32, #tpu.memory_space<hbm>>
        %dma_wait3A_204 = tpu.memref_squeeze %dma_wait3A_203 : memref<1x128x128xf32, #tpu.memory_space<hbm>> -> memref<128x128xf32, #tpu.memory_space<hbm>>
        tpu.wait_dma2 semaphore(%arg20 : memref<!tpu.dma_semaphore, #tpu.memory_space<semaphore_mem>>) src(%arg10 : memref<128x128xf32, #tpu.memory_space<vmem>>) dst(%dma_wait3A_204 : memref<128x128xf32, #tpu.memory_space<hbm>>)
      } else {
      }
      %add3A_76 = arith.constant 4 : i32
      %add3A_77 = arith.addi %add3A_73, %add3A_76 : i32
      %dma_start3A_78 = arith.constant 0 : i32
      %dma_start3A_79 = tpu.memref_slice %arg5[%add3A_77, %dma_start3A_78] : memref<50x128xi32, #tpu.memory_space<vmem>> -> memref<1x128xi32, #tpu.memory_space<vmem>>
      %dma_start3A_80 = tpu.memref_squeeze %dma_start3A_79 : memref<1x128xi32, #tpu.memory_space<vmem>> -> memref<128xi32, #tpu.memory_space<vmem>>
      %dma_start3A_81 = arith.constant 0 : i32
      %dma_start3A_82 = arith.constant 0 : i32
      %dma_start3A_83 = tpu.memref_slice %arg2[%dma_start3A_81, %dma_start3A_82] : memref<100000x128xf32, #tpu.memory_space<hbm>> -> memref<100000x128xf32, #tpu.memory_space<hbm>>
      tpu.enqueue_indirect_dma source(%dma_start3A_83 : memref<100000x128xf32, #tpu.memory_space<hbm>>) target(%arg10 : memref<128x128xf32, #tpu.memory_space<vmem>>) offsets(%dma_start3A_80 : memref<128xi32, #tpu.memory_space<vmem>>) semaphore(%arg15 : memref<!tpu.dma_semaphore, #tpu.memory_space<semaphore_mem>>)
      %dma_wait3A_84 = arith.constant 0 : i32
      %dma_wait3A_85 = arith.constant 0 : i32
      %dma_wait3A_86 = tpu.memref_slice %arg5[%dma_wait3A_84, %dma_wait3A_85] : memref<50x128xi32, #tpu.memory_space<vmem>> -> memref<1x128xi32, #tpu.memory_space<vmem>>
      %dma_wait3A_87 = tpu.memref_squeeze %dma_wait3A_86 : memref<1x128xi32, #tpu.memory_space<vmem>> -> memref<128xi32, #tpu.memory_space<vmem>>
      %dma_wait3A_88 = arith.constant 0 : i32
      %dma_wait3A_89 = arith.constant 0 : i32
      %dma_wait3A_90 = tpu.memref_slice %arg2[%dma_wait3A_88, %dma_wait3A_89] : memref<100000x128xf32, #tpu.memory_space<hbm>> -> memref<100000x128xf32, #tpu.memory_space<hbm>>
      tpu.wait_indirect_dma semaphore(%arg11 : memref<!tpu.dma_semaphore, #tpu.memory_space<semaphore_mem>>) src(%dma_wait3A_90 : memref<100000x128xf32, #tpu.memory_space<hbm>>) dst(%arg6 : memref<128x128xf32, #tpu.memory_space<vmem>>)
      %parallel_loop3A = arith.constant 0 : i32
      %parallel_loop3A_91 = arith.constant 128 : i32
      %parallel_loop3A_92 = arith.constant 1 : i32
      scf.for %parallel_loop3A_198 = %parallel_loop3A to %parallel_loop3A_91 step %parallel_loop3A_92  : i32 {
        %parallel_loop3A_199 = arith.index_cast %parallel_loop3A_198 : i32 to index
        %parallel_loop3A_200 = arith.constant 0 : index
        %parallel_loop3A_201 = tpu.vector_load %arg6[%parallel_loop3A_199, %parallel_loop3A_200] {strides = array<i32>} : memref<128x128xf32, #tpu.memory_space<vmem>>, vector<1x16xf32>,
        %parallel_loop3A_202 = vector.shape_cast %parallel_loop3A_201 : vector<1x16xf32> to vector<16xf32>
        %parallel_loop3A_203 = arith.constant 11.3137083 : f32
        %parallel_loop3A_204 = vector.broadcast %parallel_loop3A_203 : f32 to vector<16xf32>
        %parallel_loop3A_205 = arith.mulf %parallel_loop3A_202, %parallel_loop3A_204 : vector<16xf32>
        %parallel_loop3A_206 = arith.index_cast %parallel_loop3A_198 : i32 to index
        %parallel_loop3A_207 = arith.constant 0 : index
        %parallel_loop3A_208 = tpu.vector_load %arg6[%parallel_loop3A_206, %parallel_loop3A_207] {strides = array<i32>} : memref<128x128xf32, #tpu.memory_space<vmem>>, vector<1x16xf32>,
        %parallel_loop3A_209 = vector.shape_cast %parallel_loop3A_208 : vector<1x16xf32> to vector<16xf32>
        %parallel_loop3A_210 = vector.shape_cast %parallel_loop3A_205 : vector<16xf32> to vector<1x16xf32>
        tpu.vector_store %arg6[%parallel_loop3A_206, %parallel_loop3A_207], %parallel_loop3A_210 {strides = array<i32>} : memref<128x128xf32, #tpu.memory_space<vmem>>, vector<1x16xf32>,
        %parallel_loop3A_211 = arith.index_cast %parallel_loop3A_198 : i32 to index
        %parallel_loop3A_212 = arith.constant 16 : index
        %parallel_loop3A_213 = tpu.vector_load %arg6[%parallel_loop3A_211, %parallel_loop3A_212] {strides = array<i32>} : memref<128x128xf32, #tpu.memory_space<vmem>>, vector<1x16xf32>,
        %parallel_loop3A_214 = vector.shape_cast %parallel_loop3A_213 : vector<1x16xf32> to vector<16xf32>
        %parallel_loop3A_215 = arith.constant 11.3137083 : f32
        %parallel_loop3A_216 = vector.broadcast %parallel_loop3A_215 : f32 to vector<16xf32>
        %parallel_loop3A_217 = arith.mulf %parallel_loop3A_214, %parallel_loop3A_216 : vector<16xf32>
        %parallel_loop3A_218 = arith.index_cast %parallel_loop3A_198 : i32 to index
        %parallel_loop3A_219 = arith.constant 16 : index
        %parallel_loop3A_220 = tpu.vector_load %arg6[%parallel_loop3A_218, %parallel_loop3A_219] {strides = array<i32>} : memref<128x128xf32, #tpu.memory_space<vmem>>, vector<1x16xf32>,
        %parallel_loop3A_221 = vector.shape_cast %parallel_loop3A_220 : vector<1x16xf32> to vector<16xf32>
        %parallel_loop3A_222 = vector.shape_cast %parallel_loop3A_217 : vector<16xf32> to vector<1x16xf32>
        tpu.vector_store %arg6[%parallel_loop3A_218, %parallel_loop3A_219], %parallel_loop3A_222 {strides = array<i32>} : memref<128x128xf32, #tpu.memory_space<vmem>>, vector<1x16xf32>,
        %parallel_loop3A_223 = arith.index_cast %parallel_loop3A_198 : i32 to index
        %parallel_loop3A_224 = arith.constant 32 : index
        %parallel_loop3A_225 = tpu.vector_load %arg6[%parallel_loop3A_223, %parallel_loop3A_224] {strides = array<i32>} : memref<128x128xf32, #tpu.memory_space<vmem>>, vector<1x16xf32>,
        %parallel_loop3A_226 = vector.shape_cast %parallel_loop3A_225 : vector<1x16xf32> to vector<16xf32>
        %parallel_loop3A_227 = arith.constant 11.3137083 : f32
        %parallel_loop3A_228 = vector.broadcast %parallel_loop3A_227 : f32 to vector<16xf32>
        %parallel_loop3A_229 = arith.mulf %parallel_loop3A_226, %parallel_loop3A_228 : vector<16xf32>
        %parallel_loop3A_230 = arith.index_cast %parallel_loop3A_198 : i32 to index
        %parallel_loop3A_231 = arith.constant 32 : index
        %parallel_loop3A_232 = tpu.vector_load %arg6[%parallel_loop3A_230, %parallel_loop3A_231] {strides = array<i32>} : memref<128x128xf32, #tpu.memory_space<vmem>>, vector<1x16xf32>,
        %parallel_loop3A_233 = vector.shape_cast %parallel_loop3A_232 : vector<1x16xf32> to vector<16xf32>
        %parallel_loop3A_234 = vector.shape_cast %parallel_loop3A_229 : vector<16xf32> to vector<1x16xf32>
        tpu.vector_store %arg6[%parallel_loop3A_230, %parallel_loop3A_231], %parallel_loop3A_234 {strides = array<i32>} : memref<128x128xf32, #tpu.memory_space<vmem>>, vector<1x16xf32>,
        %parallel_loop3A_235 = arith.index_cast %parallel_loop3A_198 : i32 to index
        %parallel_loop3A_236 = arith.constant 48 : index
        %parallel_loop3A_237 = tpu.vector_load %arg6[%parallel_loop3A_235, %parallel_loop3A_236] {strides = array<i32>} : memref<128x128xf32, #tpu.memory_space<vmem>>, vector<1x16xf32>,
        %parallel_loop3A_238 = vector.shape_cast %parallel_loop3A_237 : vector<1x16xf32> to vector<16xf32>
        %parallel_loop3A_239 = arith.constant 11.3137083 : f32
        %parallel_loop3A_240 = vector.broadcast %parallel_loop3A_239 : f32 to vector<16xf32>
        %parallel_loop3A_241 = arith.mulf %parallel_loop3A_238, %parallel_loop3A_240 : vector<16xf32>
        %parallel_loop3A_242 = arith.index_cast %parallel_loop3A_198 : i32 to index
        %parallel_loop3A_243 = arith.constant 48 : index
        %parallel_loop3A_244 = tpu.vector_load %arg6[%parallel_loop3A_242, %parallel_loop3A_243] {strides = array<i32>} : memref<128x128xf32, #tpu.memory_space<vmem>>, vector<1x16xf32>,
        %parallel_loop3A_245 = vector.shape_cast %parallel_loop3A_244 : vector<1x16xf32> to vector<16xf32>
        %parallel_loop3A_246 = vector.shape_cast %parallel_loop3A_241 : vector<16xf32> to vector<1x16xf32>
        tpu.vector_store %arg6[%parallel_loop3A_242, %parallel_loop3A_243], %parallel_loop3A_246 {strides = array<i32>} : memref<128x128xf32, #tpu.memory_space<vmem>>, vector<1x16xf32>,
        %parallel_loop3A_247 = arith.index_cast %parallel_loop3A_198 : i32 to index
        %parallel_loop3A_248 = arith.constant 64 : index
        %parallel_loop3A_249 = tpu.vector_load %arg6[%parallel_loop3A_247, %parallel_loop3A_248] {strides = array<i32>} : memref<128x128xf32, #tpu.memory_space<vmem>>, vector<1x16xf32>,
        %parallel_loop3A_250 = vector.shape_cast %parallel_loop3A_249 : vector<1x16xf32> to vector<16xf32>
        %parallel_loop3A_251 = arith.constant 11.3137083 : f32
        %parallel_loop3A_252 = vector.broadcast %parallel_loop3A_251 : f32 to vector<16xf32>
        %parallel_loop3A_253 = arith.mulf %parallel_loop3A_250, %parallel_loop3A_252 : vector<16xf32>
        %parallel_loop3A_254 = arith.index_cast %parallel_loop3A_198 : i32 to index
        %parallel_loop3A_255 = arith.constant 64 : index
        %parallel_loop3A_256 = tpu.vector_load %arg6[%parallel_loop3A_254, %parallel_loop3A_255] {strides = array<i32>} : memref<128x128xf32, #tpu.memory_space<vmem>>, vector<1x16xf32>,
        %parallel_loop3A_257 = vector.shape_cast %parallel_loop3A_256 : vector<1x16xf32> to vector<16xf32>
        %parallel_loop3A_258 = vector.shape_cast %parallel_loop3A_253 : vector<16xf32> to vector<1x16xf32>
        tpu.vector_store %arg6[%parallel_loop3A_254, %parallel_loop3A_255], %parallel_loop3A_258 {strides = array<i32>} : memref<128x128xf32, #tpu.memory_space<vmem>>, vector<1x16xf32>,
        %parallel_loop3A_259 = arith.index_cast %parallel_loop3A_198 : i32 to index
        %parallel_loop3A_260 = arith.constant 80 : index
        %parallel_loop3A_261 = tpu.vector_load %arg6[%parallel_loop3A_259, %parallel_loop3A_260] {strides = array<i32>} : memref<128x128xf32, #tpu.memory_space<vmem>>, vector<1x16xf32>,
        %parallel_loop3A_262 = vector.shape_cast %parallel_loop3A_261 : vector<1x16xf32> to vector<16xf32>
        %parallel_loop3A_263 = arith.constant 11.3137083 : f32
        %parallel_loop3A_264 = vector.broadcast %parallel_loop3A_263 : f32 to vector<16xf32>
        %parallel_loop3A_265 = arith.mulf %parallel_loop3A_262, %parallel_loop3A_264 : vector<16xf32>
        %parallel_loop3A_266 = arith.index_cast %parallel_loop3A_198 : i32 to index
        %parallel_loop3A_267 = arith.constant 80 : index
        %parallel_loop3A_268 = tpu.vector_load %arg6[%parallel_loop3A_266, %parallel_loop3A_267] {strides = array<i32>} : memref<128x128xf32, #tpu.memory_space<vmem>>, vector<1x16xf32>,
        %parallel_loop3A_269 = vector.shape_cast %parallel_loop3A_268 : vector<1x16xf32> to vector<16xf32>
        %parallel_loop3A_270 = vector.shape_cast %parallel_loop3A_265 : vector<16xf32> to vector<1x16xf32>
        tpu.vector_store %arg6[%parallel_loop3A_266, %parallel_loop3A_267], %parallel_loop3A_270 {strides = array<i32>} : memref<128x128xf32, #tpu.memory_space<vmem>>, vector<1x16xf32>,
        %parallel_loop3A_271 = arith.index_cast %parallel_loop3A_198 : i32 to index
        %parallel_loop3A_272 = arith.constant 96 : index
        %parallel_loop3A_273 = tpu.vector_load %arg6[%parallel_loop3A_271, %parallel_loop3A_272] {strides = array<i32>} : memref<128x128xf32, #tpu.memory_space<vmem>>, vector<1x16xf32>,
        %parallel_loop3A_274 = vector.shape_cast %parallel_loop3A_273 : vector<1x16xf32> to vector<16xf32>
        %parallel_loop3A_275 = arith.constant 11.3137083 : f32
        %parallel_loop3A_276 = vector.broadcast %parallel_loop3A_275 : f32 to vector<16xf32>
        %parallel_loop3A_277 = arith.mulf %parallel_loop3A_274, %parallel_loop3A_276 : vector<16xf32>
        %parallel_loop3A_278 = arith.index_cast %parallel_loop3A_198 : i32 to index
        %parallel_loop3A_279 = arith.constant 96 : index
        %parallel_loop3A_280 = tpu.vector_load %arg6[%parallel_loop3A_278, %parallel_loop3A_279] {strides = array<i32>} : memref<128x128xf32, #tpu.memory_space<vmem>>, vector<1x16xf32>,
        %parallel_loop3A_281 = vector.shape_cast %parallel_loop3A_280 : vector<1x16xf32> to vector<16xf32>
        %parallel_loop3A_282 = vector.shape_cast %parallel_loop3A_277 : vector<16xf32> to vector<1x16xf32>
        tpu.vector_store %arg6[%parallel_loop3A_278, %parallel_loop3A_279], %parallel_loop3A_282 {strides = array<i32>} : memref<128x128xf32, #tpu.memory_space<vmem>>, vector<1x16xf32>,
        %parallel_loop3A_283 = arith.index_cast %parallel_loop3A_198 : i32 to index
        %parallel_loop3A_284 = arith.constant 112 : index
        %parallel_loop3A_285 = tpu.vector_load %arg6[%parallel_loop3A_283, %parallel_loop3A_284] {strides = array<i32>} : memref<128x128xf32, #tpu.memory_space<vmem>>, vector<1x16xf32>,
        %parallel_loop3A_286 = vector.shape_cast %parallel_loop3A_285 : vector<1x16xf32> to vector<16xf32>
        %parallel_loop3A_287 = arith.constant 11.3137083 : f32
        %parallel_loop3A_288 = vector.broadcast %parallel_loop3A_287 : f32 to vector<16xf32>
        %parallel_loop3A_289 = arith.mulf %parallel_loop3A_286, %parallel_loop3A_288 : vector<16xf32>
        %parallel_loop3A_290 = arith.index_cast %parallel_loop3A_198 : i32 to index
        %parallel_loop3A_291 = arith.constant 112 : index
        %parallel_loop3A_292 = tpu.vector_load %arg6[%parallel_loop3A_290, %parallel_loop3A_291] {strides = array<i32>} : memref<128x128xf32, #tpu.memory_space<vmem>>, vector<1x16xf32>,
        %parallel_loop3A_293 = vector.shape_cast %parallel_loop3A_292 : vector<1x16xf32> to vector<16xf32>
        %parallel_loop3A_294 = vector.shape_cast %parallel_loop3A_289 : vector<16xf32> to vector<1x16xf32>
        tpu.vector_store %arg6[%parallel_loop3A_290, %parallel_loop3A_291], %parallel_loop3A_294 {strides = array<i32>} : memref<128x128xf32, #tpu.memory_space<vmem>>, vector<1x16xf32>,
      } {sc.loop_unroll_factor = 2 : i64, sc.parallel_access}
      %dma_start3A_93 = arith.constant 0 : i32
      %dma_start3A_94 = tpu.memref_slice %arg4[%add3A_73, %mul3A_2, %dma_start3A_93] : memref<50x4096x128xf32, #tpu.memory_space<hbm>> -> memref<1x128x128xf32, #tpu.memory_space<hbm>>
      %dma_start3A_95 = tpu.memref_squeeze %dma_start3A_94 : memref<1x128x128xf32, #tpu.memory_space<hbm>> -> memref<128x128xf32, #tpu.memory_space<hbm>>
      %dma_start3A_96 = arith.constant 0 : i32
      %dma_start3A_97 = tpu.memref_slice %arg4[%add3A_73, %mul3A_2, %dma_start3A_96] : memref<50x4096x128xf32, #tpu.memory_space<hbm>> -> memref<1x128x128xf32, #tpu.memory_space<hbm>>
      %dma_start3A_98 = tpu.memref_squeeze %dma_start3A_97 : memref<1x128x128xf32, #tpu.memory_space<hbm>> -> memref<128x128xf32, #tpu.memory_space<hbm>>
      tpu.enqueue_dma source(%arg6 : memref<128x128xf32, #tpu.memory_space<vmem>>) target(%dma_start3A_98 : memref<128x128xf32, #tpu.memory_space<hbm>>) target_semaphore(%arg16 : memref<!tpu.dma_semaphore, #tpu.memory_space<semaphore_mem>>)
      %mul3A_99 = arith.constant 5 : i32
      %mul3A_100 = arith.muli %scan3A_69, %mul3A_99 : i32
      %add3A_101 = arith.constant 1 : i32
      %add3A_102 = arith.addi %mul3A_100, %add3A_101 : i32
      %le3A = arith.constant 8 : i32
      %le3A_103 = arith.cmpi sle, %scan3A_69, %le3A : i32
      %convert_element_type3A_104 = arith.extui %le3A_103 : i1 to i32
      %cond3A_105 = arith.constant 0 : i32
      %cond3A_106 = arith.cmpi ne, %convert_element_type3A_104, %cond3A_105 : i32
      scf.if %cond3A_106 {
        %dma_wait3A_198 = arith.constant 0 : i32
        %dma_wait3A_199 = arith.constant 0 : i32
        %dma_wait3A_200 = tpu.memref_slice %arg4[%dma_wait3A_198, %mul3A_2, %dma_wait3A_199] : memref<50x4096x128xf32, #tpu.memory_space<hbm>> -> memref<1x128x128xf32, #tpu.memory_space<hbm>>
        %dma_wait3A_201 = tpu.memref_squeeze %dma_wait3A_200 : memref<1x128x128xf32, #tpu.memory_space<hbm>> -> memref<128x128xf32, #tpu.memory_space<hbm>>
        %dma_wait3A_202 = arith.constant 0 : i32
        %dma_wait3A_203 = tpu.memref_slice %arg4[%dma_wait3A_198, %mul3A_2, %dma_wait3A_202] : memref<50x4096x128xf32, #tpu.memory_space<hbm>> -> memref<1x128x128xf32, #tpu.memory_space<hbm>>
        %dma_wait3A_204 = tpu.memref_squeeze %dma_wait3A_203 : memref<1x128x128xf32, #tpu.memory_space<hbm>> -> memref<128x128xf32, #tpu.memory_space<hbm>>
        tpu.wait_dma2 semaphore(%arg16 : memref<!tpu.dma_semaphore, #tpu.memory_space<semaphore_mem>>) src(%arg6 : memref<128x128xf32, #tpu.memory_space<vmem>>) dst(%dma_wait3A_204 : memref<128x128xf32, #tpu.memory_space<hbm>>)
        %add3A_205 = arith.constant 4 : i32
        %add3A_206 = arith.addi %add3A_102, %add3A_205 : i32
        %dma_start3A_207 = arith.constant 0 : i32
        %dma_start3A_208 = tpu.memref_slice %arg5[%add3A_206, %dma_start3A_207] : memref<50x128xi32, #tpu.memory_space<vmem>> -> memref<1x128xi32, #tpu.memory_space<vmem>>
        %dma_start3A_209 = tpu.memref_squeeze %dma_start3A_208 : memref<1x128xi32, #tpu.memory_space<vmem>> -> memref<128xi32, #tpu.memory_space<vmem>>
        %dma_start3A_210 = arith.constant 0 : i32
        %dma_start3A_211 = arith.constant 0 : i32
        %dma_start3A_212 = tpu.memref_slice %arg2[%dma_start3A_210, %dma_start3A_211] : memref<100000x128xf32, #tpu.memory_space<hbm>> -> memref<100000x128xf32, #tpu.memory_space<hbm>>
        tpu.enqueue_indirect_dma source(%dma_start3A_212 : memref<100000x128xf32, #tpu.memory_space<hbm>>) target(%arg6 : memref<128x128xf32, #tpu.memory_space<vmem>>) offsets(%dma_start3A_209 : memref<128xi32, #tpu.memory_space<vmem>>) semaphore(%arg11 : memref<!tpu.dma_semaphore, #tpu.memory_space<semaphore_mem>>)
      } else {
      }
      %dma_wait3A_107 = arith.constant 0 : i32
      %dma_wait3A_108 = arith.constant 0 : i32
      %dma_wait3A_109 = tpu.memref_slice %arg5[%dma_wait3A_107, %dma_wait3A_108] : memref<50x128xi32, #tpu.memory_space<vmem>> -> memref<1x128xi32, #tpu.memory_space<vmem>>
      %dma_wait3A_110 = tpu.memref_squeeze %dma_wait3A_109 : memref<1x128xi32, #tpu.memory_space<vmem>> -> memref<128xi32, #tpu.memory_space<vmem>>
      %dma_wait3A_111 = arith.constant 0 : i32
      %dma_wait3A_112 = arith.constant 0 : i32
      %dma_wait3A_113 = tpu.memref_slice %arg2[%dma_wait3A_111, %dma_wait3A_112] : memref<100000x128xf32, #tpu.memory_space<hbm>> -> memref<100000x128xf32, #tpu.memory_space<hbm>>
      tpu.wait_indirect_dma semaphore(%arg12 : memref<!tpu.dma_semaphore, #tpu.memory_space<semaphore_mem>>) src(%dma_wait3A_113 : memref<100000x128xf32, #tpu.memory_space<hbm>>) dst(%arg7 : memref<128x128xf32, #tpu.memory_space<vmem>>)
      %parallel_loop3A_114 = arith.constant 0 : i32
      %parallel_loop3A_115 = arith.constant 128 : i32
      %parallel_loop3A_116 = arith.constant 1 : i32
      scf.for %parallel_loop3A_198 = %parallel_loop3A_114 to %parallel_loop3A_115 step %parallel_loop3A_116  : i32 {
        %parallel_loop3A_199 = arith.index_cast %parallel_loop3A_198 : i32 to index
        %parallel_loop3A_200 = arith.constant 0 : index
        %parallel_loop3A_201 = tpu.vector_load %arg7[%parallel_loop3A_199, %parallel_loop3A_200] {strides = array<i32>} : memref<128x128xf32, #tpu.memory_space<vmem>>, vector<1x16xf32>,
        %parallel_loop3A_202 = vector.shape_cast %parallel_loop3A_201 : vector<1x16xf32> to vector<16xf32>
        %parallel_loop3A_203 = arith.constant 11.3137083 : f32
        %parallel_loop3A_204 = vector.broadcast %parallel_loop3A_203 : f32 to vector<16xf32>
        %parallel_loop3A_205 = arith.mulf %parallel_loop3A_202, %parallel_loop3A_204 : vector<16xf32>
        %parallel_loop3A_206 = arith.index_cast %parallel_loop3A_198 : i32 to index
        %parallel_loop3A_207 = arith.constant 0 : index
        %parallel_loop3A_208 = tpu.vector_load %arg7[%parallel_loop3A_206, %parallel_loop3A_207] {strides = array<i32>} : memref<128x128xf32, #tpu.memory_space<vmem>>, vector<1x16xf32>,
        %parallel_loop3A_209 = vector.shape_cast %parallel_loop3A_208 : vector<1x16xf32> to vector<16xf32>
        %parallel_loop3A_210 = vector.shape_cast %parallel_loop3A_205 : vector<16xf32> to vector<1x16xf32>
        tpu.vector_store %arg7[%parallel_loop3A_206, %parallel_loop3A_207], %parallel_loop3A_210 {strides = array<i32>} : memref<128x128xf32, #tpu.memory_space<vmem>>, vector<1x16xf32>,
        %parallel_loop3A_211 = arith.index_cast %parallel_loop3A_198 : i32 to index
        %parallel_loop3A_212 = arith.constant 16 : index
        %parallel_loop3A_213 = tpu.vector_load %arg7[%parallel_loop3A_211, %parallel_loop3A_212] {strides = array<i32>} : memref<128x128xf32, #tpu.memory_space<vmem>>, vector<1x16xf32>,
        %parallel_loop3A_214 = vector.shape_cast %parallel_loop3A_213 : vector<1x16xf32> to vector<16xf32>
        %parallel_loop3A_215 = arith.constant 11.3137083 : f32
        %parallel_loop3A_216 = vector.broadcast %parallel_loop3A_215 : f32 to vector<16xf32>
        %parallel_loop3A_217 = arith.mulf %parallel_loop3A_214, %parallel_loop3A_216 : vector<16xf32>
        %parallel_loop3A_218 = arith.index_cast %parallel_loop3A_198 : i32 to index
        %parallel_loop3A_219 = arith.constant 16 : index
        %parallel_loop3A_220 = tpu.vector_load %arg7[%parallel_loop3A_218, %parallel_loop3A_219] {strides = array<i32>} : memref<128x128xf32, #tpu.memory_space<vmem>>, vector<1x16xf32>,
        %parallel_loop3A_221 = vector.shape_cast %parallel_loop3A_220 : vector<1x16xf32> to vector<16xf32>
        %parallel_loop3A_222 = vector.shape_cast %parallel_loop3A_217 : vector<16xf32> to vector<1x16xf32>
        tpu.vector_store %arg7[%parallel_loop3A_218, %parallel_loop3A_219], %parallel_loop3A_222 {strides = array<i32>} : memref<128x128xf32, #tpu.memory_space<vmem>>, vector<1x16xf32>,
        %parallel_loop3A_223 = arith.index_cast %parallel_loop3A_198 : i32 to index
        %parallel_loop3A_224 = arith.constant 32 : index
        %parallel_loop3A_225 = tpu.vector_load %arg7[%parallel_loop3A_223, %parallel_loop3A_224] {strides = array<i32>} : memref<128x128xf32, #tpu.memory_space<vmem>>, vector<1x16xf32>,
        %parallel_loop3A_226 = vector.shape_cast %parallel_loop3A_225 : vector<1x16xf32> to vector<16xf32>
        %parallel_loop3A_227 = arith.constant 11.3137083 : f32
        %parallel_loop3A_228 = vector.broadcast %parallel_loop3A_227 : f32 to vector<16xf32>
        %parallel_loop3A_229 = arith.mulf %parallel_loop3A_226, %parallel_loop3A_228 : vector<16xf32>
        %parallel_loop3A_230 = arith.index_cast %parallel_loop3A_198 : i32 to index
        %parallel_loop3A_231 = arith.constant 32 : index
        %parallel_loop3A_232 = tpu.vector_load %arg7[%parallel_loop3A_230, %parallel_loop3A_231] {strides = array<i32>} : memref<128x128xf32, #tpu.memory_space<vmem>>, vector<1x16xf32>,
        %parallel_loop3A_233 = vector.shape_cast %parallel_loop3A_232 : vector<1x16xf32> to vector<16xf32>
        %parallel_loop3A_234 = vector.shape_cast %parallel_loop3A_229 : vector<16xf32> to vector<1x16xf32>
        tpu.vector_store %arg7[%parallel_loop3A_230, %parallel_loop3A_231], %parallel_loop3A_234 {strides = array<i32>} : memref<128x128xf32, #tpu.memory_space<vmem>>, vector<1x16xf32>,
        %parallel_loop3A_235 = arith.index_cast %parallel_loop3A_198 : i32 to index
        %parallel_loop3A_236 = arith.constant 48 : index
        %parallel_loop3A_237 = tpu.vector_load %arg7[%parallel_loop3A_235, %parallel_loop3A_236] {strides = array<i32>} : memref<128x128xf32, #tpu.memory_space<vmem>>, vector<1x16xf32>,
        %parallel_loop3A_238 = vector.shape_cast %parallel_loop3A_237 : vector<1x16xf32> to vector<16xf32>
        %parallel_loop3A_239 = arith.constant 11.3137083 : f32
        %parallel_loop3A_240 = vector.broadcast %parallel_loop3A_239 : f32 to vector<16xf32>
        %parallel_loop3A_241 = arith.mulf %parallel_loop3A_238, %parallel_loop3A_240 : vector<16xf32>
        %parallel_loop3A_242 = arith.index_cast %parallel_loop3A_198 : i32 to index
        %parallel_loop3A_243 = arith.constant 48 : index
        %parallel_loop3A_244 = tpu.vector_load %arg7[%parallel_loop3A_242, %parallel_loop3A_243] {strides = array<i32>} : memref<128x128xf32, #tpu.memory_space<vmem>>, vector<1x16xf32>,
        %parallel_loop3A_245 = vector.shape_cast %parallel_loop3A_244 : vector<1x16xf32> to vector<16xf32>
        %parallel_loop3A_246 = vector.shape_cast %parallel_loop3A_241 : vector<16xf32> to vector<1x16xf32>
        tpu.vector_store %arg7[%parallel_loop3A_242, %parallel_loop3A_243], %parallel_loop3A_246 {strides = array<i32>} : memref<128x128xf32, #tpu.memory_space<vmem>>, vector<1x16xf32>,
        %parallel_loop3A_247 = arith.index_cast %parallel_loop3A_198 : i32 to index
        %parallel_loop3A_248 = arith.constant 64 : index
        %parallel_loop3A_249 = tpu.vector_load %arg7[%parallel_loop3A_247, %parallel_loop3A_248] {strides = array<i32>} : memref<128x128xf32, #tpu.memory_space<vmem>>, vector<1x16xf32>,
        %parallel_loop3A_250 = vector.shape_cast %parallel_loop3A_249 : vector<1x16xf32> to vector<16xf32>
        %parallel_loop3A_251 = arith.constant 11.3137083 : f32
        %parallel_loop3A_252 = vector.broadcast %parallel_loop3A_251 : f32 to vector<16xf32>
        %parallel_loop3A_253 = arith.mulf %parallel_loop3A_250, %parallel_loop3A_252 : vector<16xf32>
        %parallel_loop3A_254 = arith.index_cast %parallel_loop3A_198 : i32 to index
        %parallel_loop3A_255 = arith.constant 64 : index
        %parallel_loop3A_256 = tpu.vector_load %arg7[%parallel_loop3A_254, %parallel_loop3A_255] {strides = array<i32>} : memref<128x128xf32, #tpu.memory_space<vmem>>, vector<1x16xf32>,
        %parallel_loop3A_257 = vector.shape_cast %parallel_loop3A_256 : vector<1x16xf32> to vector<16xf32>
        %parallel_loop3A_258 = vector.shape_cast %parallel_loop3A_253 : vector<16xf32> to vector<1x16xf32>
        tpu.vector_store %arg7[%parallel_loop3A_254, %parallel_loop3A_255], %parallel_loop3A_258 {strides = array<i32>} : memref<128x128xf32, #tpu.memory_space<vmem>>, vector<1x16xf32>,
        %parallel_loop3A_259 = arith.index_cast %parallel_loop3A_198 : i32 to index
        %parallel_loop3A_260 = arith.constant 80 : index
        %parallel_loop3A_261 = tpu.vector_load %arg7[%parallel_loop3A_259, %parallel_loop3A_260] {strides = array<i32>} : memref<128x128xf32, #tpu.memory_space<vmem>>, vector<1x16xf32>,
        %parallel_loop3A_262 = vector.shape_cast %parallel_loop3A_261 : vector<1x16xf32> to vector<16xf32>
        %parallel_loop3A_263 = arith.constant 11.3137083 : f32
        %parallel_loop3A_264 = vector.broadcast %parallel_loop3A_263 : f32 to vector<16xf32>
        %parallel_loop3A_265 = arith.mulf %parallel_loop3A_262, %parallel_loop3A_264 : vector<16xf32>
        %parallel_loop3A_266 = arith.index_cast %parallel_loop3A_198 : i32 to index
        %parallel_loop3A_267 = arith.constant 80 : index
        %parallel_loop3A_268 = tpu.vector_load %arg7[%parallel_loop3A_266, %parallel_loop3A_267] {strides = array<i32>} : memref<128x128xf32, #tpu.memory_space<vmem>>, vector<1x16xf32>,
        %parallel_loop3A_269 = vector.shape_cast %parallel_loop3A_268 : vector<1x16xf32> to vector<16xf32>
        %parallel_loop3A_270 = vector.shape_cast %parallel_loop3A_265 : vector<16xf32> to vector<1x16xf32>
        tpu.vector_store %arg7[%parallel_loop3A_266, %parallel_loop3A_267], %parallel_loop3A_270 {strides = array<i32>} : memref<128x128xf32, #tpu.memory_space<vmem>>, vector<1x16xf32>,
        %parallel_loop3A_271 = arith.index_cast %parallel_loop3A_198 : i32 to index
        %parallel_loop3A_272 = arith.constant 96 : index
        %parallel_loop3A_273 = tpu.vector_load %arg7[%parallel_loop3A_271, %parallel_loop3A_272] {strides = array<i32>} : memref<128x128xf32, #tpu.memory_space<vmem>>, vector<1x16xf32>,
        %parallel_loop3A_274 = vector.shape_cast %parallel_loop3A_273 : vector<1x16xf32> to vector<16xf32>
        %parallel_loop3A_275 = arith.constant 11.3137083 : f32
        %parallel_loop3A_276 = vector.broadcast %parallel_loop3A_275 : f32 to vector<16xf32>
        %parallel_loop3A_277 = arith.mulf %parallel_loop3A_274, %parallel_loop3A_276 : vector<16xf32>
        %parallel_loop3A_278 = arith.index_cast %parallel_loop3A_198 : i32 to index
        %parallel_loop3A_279 = arith.constant 96 : index
        %parallel_loop3A_280 = tpu.vector_load %arg7[%parallel_loop3A_278, %parallel_loop3A_279] {strides = array<i32>} : memref<128x128xf32, #tpu.memory_space<vmem>>, vector<1x16xf32>,
        %parallel_loop3A_281 = vector.shape_cast %parallel_loop3A_280 : vector<1x16xf32> to vector<16xf32>
        %parallel_loop3A_282 = vector.shape_cast %parallel_loop3A_277 : vector<16xf32> to vector<1x16xf32>
        tpu.vector_store %arg7[%parallel_loop3A_278, %parallel_loop3A_279], %parallel_loop3A_282 {strides = array<i32>} : memref<128x128xf32, #tpu.memory_space<vmem>>, vector<1x16xf32>,
        %parallel_loop3A_283 = arith.index_cast %parallel_loop3A_198 : i32 to index
        %parallel_loop3A_284 = arith.constant 112 : index
        %parallel_loop3A_285 = tpu.vector_load %arg7[%parallel_loop3A_283, %parallel_loop3A_284] {strides = array<i32>} : memref<128x128xf32, #tpu.memory_space<vmem>>, vector<1x16xf32>,
        %parallel_loop3A_286 = vector.shape_cast %parallel_loop3A_285 : vector<1x16xf32> to vector<16xf32>
        %parallel_loop3A_287 = arith.constant 11.3137083 : f32
        %parallel_loop3A_288 = vector.broadcast %parallel_loop3A_287 : f32 to vector<16xf32>
        %parallel_loop3A_289 = arith.mulf %parallel_loop3A_286, %parallel_loop3A_288 : vector<16xf32>
        %parallel_loop3A_290 = arith.index_cast %parallel_loop3A_198 : i32 to index
        %parallel_loop3A_291 = arith.constant 112 : index
        %parallel_loop3A_292 = tpu.vector_load %arg7[%parallel_loop3A_290, %parallel_loop3A_291] {strides = array<i32>} : memref<128x128xf32, #tpu.memory_space<vmem>>, vector<1x16xf32>,
        %parallel_loop3A_293 = vector.shape_cast %parallel_loop3A_292 : vector<1x16xf32> to vector<16xf32>
        %parallel_loop3A_294 = vector.shape_cast %parallel_loop3A_289 : vector<16xf32> to vector<1x16xf32>
        tpu.vector_store %arg7[%parallel_loop3A_290, %parallel_loop3A_291], %parallel_loop3A_294 {strides = array<i32>} : memref<128x128xf32, #tpu.memory_space<vmem>>, vector<1x16xf32>,
      } {sc.loop_unroll_factor = 2 : i64, sc.parallel_access}
      %dma_start3A_117 = arith.constant 0 : i32
      %dma_start3A_118 = tpu.memref_slice %arg4[%add3A_102, %mul3A_2, %dma_start3A_117] : memref<50x4096x128xf32, #tpu.memory_space<hbm>> -> memref<1x128x128xf32, #tpu.memory_space<hbm>>
      %dma_start3A_119 = tpu.memref_squeeze %dma_start3A_118 : memref<1x128x128xf32, #tpu.memory_space<hbm>> -> memref<128x128xf32, #tpu.memory_space<hbm>>
      %dma_start3A_120 = arith.constant 0 : i32
      %dma_start3A_121 = tpu.memref_slice %arg4[%add3A_102, %mul3A_2, %dma_start3A_120] : memref<50x4096x128xf32, #tpu.memory_space<hbm>> -> memref<1x128x128xf32, #tpu.memory_space<hbm>>
      %dma_start3A_122 = tpu.memref_squeeze %dma_start3A_121 : memref<1x128x128xf32, #tpu.memory_space<hbm>> -> memref<128x128xf32, #tpu.memory_space<hbm>>
      tpu.enqueue_dma source(%arg7 : memref<128x128xf32, #tpu.memory_space<vmem>>) target(%dma_start3A_122 : memref<128x128xf32, #tpu.memory_space<hbm>>) target_semaphore(%arg17 : memref<!tpu.dma_semaphore, #tpu.memory_space<semaphore_mem>>)
      %mul3A_123 = arith.constant 5 : i32
      %mul3A_124 = arith.muli %scan3A_69, %mul3A_123 : i32
      %add3A_125 = arith.constant 2 : i32
      %add3A_126 = arith.addi %mul3A_124, %add3A_125 : i32
      %le3A_127 = arith.constant 8 : i32
      %le3A_128 = arith.cmpi sle, %scan3A_69, %le3A_127 : i32
      %convert_element_type3A_129 = arith.extui %le3A_128 : i1 to i32
      %cond3A_130 = arith.constant 0 : i32
      %cond3A_131 = arith.cmpi ne, %convert_element_type3A_129, %cond3A_130 : i32
      scf.if %cond3A_131 {
        %dma_wait3A_198 = arith.constant 0 : i32
        %dma_wait3A_199 = arith.constant 0 : i32
        %dma_wait3A_200 = tpu.memref_slice %arg4[%dma_wait3A_198, %mul3A_2, %dma_wait3A_199] : memref<50x4096x128xf32, #tpu.memory_space<hbm>> -> memref<1x128x128xf32, #tpu.memory_space<hbm>>
        %dma_wait3A_201 = tpu.memref_squeeze %dma_wait3A_200 : memref<1x128x128xf32, #tpu.memory_space<hbm>> -> memref<128x128xf32, #tpu.memory_space<hbm>>
        %dma_wait3A_202 = arith.constant 0 : i32
        %dma_wait3A_203 = tpu.memref_slice %arg4[%dma_wait3A_198, %mul3A_2, %dma_wait3A_202] : memref<50x4096x128xf32, #tpu.memory_space<hbm>> -> memref<1x128x128xf32, #tpu.memory_space<hbm>>
        %dma_wait3A_204 = tpu.memref_squeeze %dma_wait3A_203 : memref<1x128x128xf32, #tpu.memory_space<hbm>> -> memref<128x128xf32, #tpu.memory_space<hbm>>
        tpu.wait_dma2 semaphore(%arg17 : memref<!tpu.dma_semaphore, #tpu.memory_space<semaphore_mem>>) src(%arg7 : memref<128x128xf32, #tpu.memory_space<vmem>>) dst(%dma_wait3A_204 : memref<128x128xf32, #tpu.memory_space<hbm>>)
        %add3A_205 = arith.constant 4 : i32
        %add3A_206 = arith.addi %add3A_126, %add3A_205 : i32
        %dma_start3A_207 = arith.constant 0 : i32
        %dma_start3A_208 = tpu.memref_slice %arg5[%add3A_206, %dma_start3A_207] : memref<50x128xi32, #tpu.memory_space<vmem>> -> memref<1x128xi32, #tpu.memory_space<vmem>>
        %dma_start3A_209 = tpu.memref_squeeze %dma_start3A_208 : memref<1x128xi32, #tpu.memory_space<vmem>> -> memref<128xi32, #tpu.memory_space<vmem>>
        %dma_start3A_210 = arith.constant 0 : i32
        %dma_start3A_211 = arith.constant 0 : i32
        %dma_start3A_212 = tpu.memref_slice %arg2[%dma_start3A_210, %dma_start3A_211] : memref<100000x128xf32, #tpu.memory_space<hbm>> -> memref<100000x128xf32, #tpu.memory_space<hbm>>
        tpu.enqueue_indirect_dma source(%dma_start3A_212 : memref<100000x128xf32, #tpu.memory_space<hbm>>) target(%arg7 : memref<128x128xf32, #tpu.memory_space<vmem>>) offsets(%dma_start3A_209 : memref<128xi32, #tpu.memory_space<vmem>>) semaphore(%arg12 : memref<!tpu.dma_semaphore, #tpu.memory_space<semaphore_mem>>)
      } else {
      }
      %dma_wait3A_132 = arith.constant 0 : i32
      %dma_wait3A_133 = arith.constant 0 : i32
      %dma_wait3A_134 = tpu.memref_slice %arg5[%dma_wait3A_132, %dma_wait3A_133] : memref<50x128xi32, #tpu.memory_space<vmem>> -> memref<1x128xi32, #tpu.memory_space<vmem>>
      %dma_wait3A_135 = tpu.memref_squeeze %dma_wait3A_134 : memref<1x128xi32, #tpu.memory_space<vmem>> -> memref<128xi32, #tpu.memory_space<vmem>>
      %dma_wait3A_136 = arith.constant 0 : i32
      %dma_wait3A_137 = arith.constant 0 : i32
      %dma_wait3A_138 = tpu.memref_slice %arg2[%dma_wait3A_136, %dma_wait3A_137] : memref<100000x128xf32, #tpu.memory_space<hbm>> -> memref<100000x128xf32, #tpu.memory_space<hbm>>
      tpu.wait_indirect_dma semaphore(%arg13 : memref<!tpu.dma_semaphore, #tpu.memory_space<semaphore_mem>>) src(%dma_wait3A_138 : memref<100000x128xf32, #tpu.memory_space<hbm>>) dst(%arg8 : memref<128x128xf32, #tpu.memory_space<vmem>>)
      %parallel_loop3A_139 = arith.constant 0 : i32
      %parallel_loop3A_140 = arith.constant 128 : i32
      %parallel_loop3A_141 = arith.constant 1 : i32
      scf.for %parallel_loop3A_198 = %parallel_loop3A_139 to %parallel_loop3A_140 step %parallel_loop3A_141  : i32 {
        %parallel_loop3A_199 = arith.index_cast %parallel_loop3A_198 : i32 to index
        %parallel_loop3A_200 = arith.constant 0 : index
        %parallel_loop3A_201 = tpu.vector_load %arg8[%parallel_loop3A_199, %parallel_loop3A_200] {strides = array<i32>} : memref<128x128xf32, #tpu.memory_space<vmem>>, vector<1x16xf32>,
        %parallel_loop3A_202 = vector.shape_cast %parallel_loop3A_201 : vector<1x16xf32> to vector<16xf32>
        %parallel_loop3A_203 = arith.constant 11.3137083 : f32
        %parallel_loop3A_204 = vector.broadcast %parallel_loop3A_203 : f32 to vector<16xf32>
        %parallel_loop3A_205 = arith.mulf %parallel_loop3A_202, %parallel_loop3A_204 : vector<16xf32>
        %parallel_loop3A_206 = arith.index_cast %parallel_loop3A_198 : i32 to index
        %parallel_loop3A_207 = arith.constant 0 : index
        %parallel_loop3A_208 = tpu.vector_load %arg8[%parallel_loop3A_206, %parallel_loop3A_207] {strides = array<i32>} : memref<128x128xf32, #tpu.memory_space<vmem>>, vector<1x16xf32>,
        %parallel_loop3A_209 = vector.shape_cast %parallel_loop3A_208 : vector<1x16xf32> to vector<16xf32>
        %parallel_loop3A_210 = vector.shape_cast %parallel_loop3A_205 : vector<16xf32> to vector<1x16xf32>
        tpu.vector_store %arg8[%parallel_loop3A_206, %parallel_loop3A_207], %parallel_loop3A_210 {strides = array<i32>} : memref<128x128xf32, #tpu.memory_space<vmem>>, vector<1x16xf32>,
        %parallel_loop3A_211 = arith.index_cast %parallel_loop3A_198 : i32 to index
        %parallel_loop3A_212 = arith.constant 16 : index
        %parallel_loop3A_213 = tpu.vector_load %arg8[%parallel_loop3A_211, %parallel_loop3A_212] {strides = array<i32>} : memref<128x128xf32, #tpu.memory_space<vmem>>, vector<1x16xf32>,
        %parallel_loop3A_214 = vector.shape_cast %parallel_loop3A_213 : vector<1x16xf32> to vector<16xf32>
        %parallel_loop3A_215 = arith.constant 11.3137083 : f32
        %parallel_loop3A_216 = vector.broadcast %parallel_loop3A_215 : f32 to vector<16xf32>
        %parallel_loop3A_217 = arith.mulf %parallel_loop3A_214, %parallel_loop3A_216 : vector<16xf32>
        %parallel_loop3A_218 = arith.index_cast %parallel_loop3A_198 : i32 to index
        %parallel_loop3A_219 = arith.constant 16 : index
        %parallel_loop3A_220 = tpu.vector_load %arg8[%parallel_loop3A_218, %parallel_loop3A_219] {strides = array<i32>} : memref<128x128xf32, #tpu.memory_space<vmem>>, vector<1x16xf32>,
        %parallel_loop3A_221 = vector.shape_cast %parallel_loop3A_220 : vector<1x16xf32> to vector<16xf32>
        %parallel_loop3A_222 = vector.shape_cast %parallel_loop3A_217 : vector<16xf32> to vector<1x16xf32>
        tpu.vector_store %arg8[%parallel_loop3A_218, %parallel_loop3A_219], %parallel_loop3A_222 {strides = array<i32>} : memref<128x128xf32, #tpu.memory_space<vmem>>, vector<1x16xf32>,
        %parallel_loop3A_223 = arith.index_cast %parallel_loop3A_198 : i32 to index
        %parallel_loop3A_224 = arith.constant 32 : index
        %parallel_loop3A_225 = tpu.vector_load %arg8[%parallel_loop3A_223, %parallel_loop3A_224] {strides = array<i32>} : memref<128x128xf32, #tpu.memory_space<vmem>>, vector<1x16xf32>,
        %parallel_loop3A_226 = vector.shape_cast %parallel_loop3A_225 : vector<1x16xf32> to vector<16xf32>
        %parallel_loop3A_227 = arith.constant 11.3137083 : f32
        %parallel_loop3A_228 = vector.broadcast %parallel_loop3A_227 : f32 to vector<16xf32>
        %parallel_loop3A_229 = arith.mulf %parallel_loop3A_226, %parallel_loop3A_228 : vector<16xf32>
        %parallel_loop3A_230 = arith.index_cast %parallel_loop3A_198 : i32 to index
        %parallel_loop3A_231 = arith.constant 32 : index
        %parallel_loop3A_232 = tpu.vector_load %arg8[%parallel_loop3A_230, %parallel_loop3A_231] {strides = array<i32>} : memref<128x128xf32, #tpu.memory_space<vmem>>, vector<1x16xf32>,
        %parallel_loop3A_233 = vector.shape_cast %parallel_loop3A_232 : vector<1x16xf32> to vector<16xf32>
        %parallel_loop3A_234 = vector.shape_cast %parallel_loop3A_229 : vector<16xf32> to vector<1x16xf32>
        tpu.vector_store %arg8[%parallel_loop3A_230, %parallel_loop3A_231], %parallel_loop3A_234 {strides = array<i32>} : memref<128x128xf32, #tpu.memory_space<vmem>>, vector<1x16xf32>,
        %parallel_loop3A_235 = arith.index_cast %parallel_loop3A_198 : i32 to index
        %parallel_loop3A_236 = arith.constant 48 : index
        %parallel_loop3A_237 = tpu.vector_load %arg8[%parallel_loop3A_235, %parallel_loop3A_236] {strides = array<i32>} : memref<128x128xf32, #tpu.memory_space<vmem>>, vector<1x16xf32>,
        %parallel_loop3A_238 = vector.shape_cast %parallel_loop3A_237 : vector<1x16xf32> to vector<16xf32>
        %parallel_loop3A_239 = arith.constant 11.3137083 : f32
        %parallel_loop3A_240 = vector.broadcast %parallel_loop3A_239 : f32 to vector<16xf32>
        %parallel_loop3A_241 = arith.mulf %parallel_loop3A_238, %parallel_loop3A_240 : vector<16xf32>
        %parallel_loop3A_242 = arith.index_cast %parallel_loop3A_198 : i32 to index
        %parallel_loop3A_243 = arith.constant 48 : index
        %parallel_loop3A_244 = tpu.vector_load %arg8[%parallel_loop3A_242, %parallel_loop3A_243] {strides = array<i32>} : memref<128x128xf32, #tpu.memory_space<vmem>>, vector<1x16xf32>,
        %parallel_loop3A_245 = vector.shape_cast %parallel_loop3A_244 : vector<1x16xf32> to vector<16xf32>
        %parallel_loop3A_246 = vector.shape_cast %parallel_loop3A_241 : vector<16xf32> to vector<1x16xf32>
        tpu.vector_store %arg8[%parallel_loop3A_242, %parallel_loop3A_243], %parallel_loop3A_246 {strides = array<i32>} : memref<128x128xf32, #tpu.memory_space<vmem>>, vector<1x16xf32>,
        %parallel_loop3A_247 = arith.index_cast %parallel_loop3A_198 : i32 to index
        %parallel_loop3A_248 = arith.constant 64 : index
        %parallel_loop3A_249 = tpu.vector_load %arg8[%parallel_loop3A_247, %parallel_loop3A_248] {strides = array<i32>} : memref<128x128xf32, #tpu.memory_space<vmem>>, vector<1x16xf32>,
        %parallel_loop3A_250 = vector.shape_cast %parallel_loop3A_249 : vector<1x16xf32> to vector<16xf32>
        %parallel_loop3A_251 = arith.constant 11.3137083 : f32
        %parallel_loop3A_252 = vector.broadcast %parallel_loop3A_251 : f32 to vector<16xf32>
        %parallel_loop3A_253 = arith.mulf %parallel_loop3A_250, %parallel_loop3A_252 : vector<16xf32>
        %parallel_loop3A_254 = arith.index_cast %parallel_loop3A_198 : i32 to index
        %parallel_loop3A_255 = arith.constant 64 : index
        %parallel_loop3A_256 = tpu.vector_load %arg8[%parallel_loop3A_254, %parallel_loop3A_255] {strides = array<i32>} : memref<128x128xf32, #tpu.memory_space<vmem>>, vector<1x16xf32>,
        %parallel_loop3A_257 = vector.shape_cast %parallel_loop3A_256 : vector<1x16xf32> to vector<16xf32>
        %parallel_loop3A_258 = vector.shape_cast %parallel_loop3A_253 : vector<16xf32> to vector<1x16xf32>
        tpu.vector_store %arg8[%parallel_loop3A_254, %parallel_loop3A_255], %parallel_loop3A_258 {strides = array<i32>} : memref<128x128xf32, #tpu.memory_space<vmem>>, vector<1x16xf32>,
        %parallel_loop3A_259 = arith.index_cast %parallel_loop3A_198 : i32 to index
        %parallel_loop3A_260 = arith.constant 80 : index
        %parallel_loop3A_261 = tpu.vector_load %arg8[%parallel_loop3A_259, %parallel_loop3A_260] {strides = array<i32>} : memref<128x128xf32, #tpu.memory_space<vmem>>, vector<1x16xf32>,
        %parallel_loop3A_262 = vector.shape_cast %parallel_loop3A_261 : vector<1x16xf32> to vector<16xf32>
        %parallel_loop3A_263 = arith.constant 11.3137083 : f32
        %parallel_loop3A_264 = vector.broadcast %parallel_loop3A_263 : f32 to vector<16xf32>
        %parallel_loop3A_265 = arith.mulf %parallel_loop3A_262, %parallel_loop3A_264 : vector<16xf32>
        %parallel_loop3A_266 = arith.index_cast %parallel_loop3A_198 : i32 to index
        %parallel_loop3A_267 = arith.constant 80 : index
        %parallel_loop3A_268 = tpu.vector_load %arg8[%parallel_loop3A_266, %parallel_loop3A_267] {strides = array<i32>} : memref<128x128xf32, #tpu.memory_space<vmem>>, vector<1x16xf32>,
        %parallel_loop3A_269 = vector.shape_cast %parallel_loop3A_268 : vector<1x16xf32> to vector<16xf32>
        %parallel_loop3A_270 = vector.shape_cast %parallel_loop3A_265 : vector<16xf32> to vector<1x16xf32>
        tpu.vector_store %arg8[%parallel_loop3A_266, %parallel_loop3A_267], %parallel_loop3A_270 {strides = array<i32>} : memref<128x128xf32, #tpu.memory_space<vmem>>, vector<1x16xf32>,
        %parallel_loop3A_271 = arith.index_cast %parallel_loop3A_198 : i32 to index
        %parallel_loop3A_272 = arith.constant 96 : index
        %parallel_loop3A_273 = tpu.vector_load %arg8[%parallel_loop3A_271, %parallel_loop3A_272] {strides = array<i32>} : memref<128x128xf32, #tpu.memory_space<vmem>>, vector<1x16xf32>,
        %parallel_loop3A_274 = vector.shape_cast %parallel_loop3A_273 : vector<1x16xf32> to vector<16xf32>
        %parallel_loop3A_275 = arith.constant 11.3137083 : f32
        %parallel_loop3A_276 = vector.broadcast %parallel_loop3A_275 : f32 to vector<16xf32>
        %parallel_loop3A_277 = arith.mulf %parallel_loop3A_274, %parallel_loop3A_276 : vector<16xf32>
        %parallel_loop3A_278 = arith.index_cast %parallel_loop3A_198 : i32 to index
        %parallel_loop3A_279 = arith.constant 96 : index
        %parallel_loop3A_280 = tpu.vector_load %arg8[%parallel_loop3A_278, %parallel_loop3A_279] {strides = array<i32>} : memref<128x128xf32, #tpu.memory_space<vmem>>, vector<1x16xf32>,
        %parallel_loop3A_281 = vector.shape_cast %parallel_loop3A_280 : vector<1x16xf32> to vector<16xf32>
        %parallel_loop3A_282 = vector.shape_cast %parallel_loop3A_277 : vector<16xf32> to vector<1x16xf32>
        tpu.vector_store %arg8[%parallel_loop3A_278, %parallel_loop3A_279], %parallel_loop3A_282 {strides = array<i32>} : memref<128x128xf32, #tpu.memory_space<vmem>>, vector<1x16xf32>,
        %parallel_loop3A_283 = arith.index_cast %parallel_loop3A_198 : i32 to index
        %parallel_loop3A_284 = arith.constant 112 : index
        %parallel_loop3A_285 = tpu.vector_load %arg8[%parallel_loop3A_283, %parallel_loop3A_284] {strides = array<i32>} : memref<128x128xf32, #tpu.memory_space<vmem>>, vector<1x16xf32>,
        %parallel_loop3A_286 = vector.shape_cast %parallel_loop3A_285 : vector<1x16xf32> to vector<16xf32>
        %parallel_loop3A_287 = arith.constant 11.3137083 : f32
        %parallel_loop3A_288 = vector.broadcast %parallel_loop3A_287 : f32 to vector<16xf32>
        %parallel_loop3A_289 = arith.mulf %parallel_loop3A_286, %parallel_loop3A_288 : vector<16xf32>
        %parallel_loop3A_290 = arith.index_cast %parallel_loop3A_198 : i32 to index
        %parallel_loop3A_291 = arith.constant 112 : index
        %parallel_loop3A_292 = tpu.vector_load %arg8[%parallel_loop3A_290, %parallel_loop3A_291] {strides = array<i32>} : memref<128x128xf32, #tpu.memory_space<vmem>>, vector<1x16xf32>,
        %parallel_loop3A_293 = vector.shape_cast %parallel_loop3A_292 : vector<1x16xf32> to vector<16xf32>
        %parallel_loop3A_294 = vector.shape_cast %parallel_loop3A_289 : vector<16xf32> to vector<1x16xf32>
        tpu.vector_store %arg8[%parallel_loop3A_290, %parallel_loop3A_291], %parallel_loop3A_294 {strides = array<i32>} : memref<128x128xf32, #tpu.memory_space<vmem>>, vector<1x16xf32>,
      } {sc.loop_unroll_factor = 2 : i64, sc.parallel_access}
      %dma_start3A_142 = arith.constant 0 : i32
      %dma_start3A_143 = tpu.memref_slice %arg4[%add3A_126, %mul3A_2, %dma_start3A_142] : memref<50x4096x128xf32, #tpu.memory_space<hbm>> -> memref<1x128x128xf32, #tpu.memory_space<hbm>>
      %dma_start3A_144 = tpu.memref_squeeze %dma_start3A_143 : memref<1x128x128xf32, #tpu.memory_space<hbm>> -> memref<128x128xf32, #tpu.memory_space<hbm>>
      %dma_start3A_145 = arith.constant 0 : i32
      %dma_start3A_146 = tpu.memref_slice %arg4[%add3A_126, %mul3A_2, %dma_start3A_145] : memref<50x4096x128xf32, #tpu.memory_space<hbm>> -> memref<1x128x128xf32, #tpu.memory_space<hbm>>
      %dma_start3A_147 = tpu.memref_squeeze %dma_start3A_146 : memref<1x128x128xf32, #tpu.memory_space<hbm>> -> memref<128x128xf32, #tpu.memory_space<hbm>>
      tpu.enqueue_dma source(%arg8 : memref<128x128xf32, #tpu.memory_space<vmem>>) target(%dma_start3A_147 : memref<128x128xf32, #tpu.memory_space<hbm>>) target_semaphore(%arg18 : memref<!tpu.dma_semaphore, #tpu.memory_space<semaphore_mem>>)
      %mul3A_148 = arith.constant 5 : i32
      %mul3A_149 = arith.muli %scan3A_69, %mul3A_148 : i32
      %add3A_150 = arith.constant 3 : i32
      %add3A_151 = arith.addi %mul3A_149, %add3A_150 : i32
      %le3A_152 = arith.constant 8 : i32
      %le3A_153 = arith.cmpi sle, %scan3A_69, %le3A_152 : i32
      %convert_element_type3A_154 = arith.extui %le3A_153 : i1 to i32
      %cond3A_155 = arith.constant 0 : i32
      %cond3A_156 = arith.cmpi ne, %convert_element_type3A_154, %cond3A_155 : i32
      scf.if %cond3A_156 {
        %dma_wait3A_198 = arith.constant 0 : i32
        %dma_wait3A_199 = arith.constant 0 : i32
        %dma_wait3A_200 = tpu.memref_slice %arg4[%dma_wait3A_198, %mul3A_2, %dma_wait3A_199] : memref<50x4096x128xf32, #tpu.memory_space<hbm>> -> memref<1x128x128xf32, #tpu.memory_space<hbm>>
        %dma_wait3A_201 = tpu.memref_squeeze %dma_wait3A_200 : memref<1x128x128xf32, #tpu.memory_space<hbm>> -> memref<128x128xf32, #tpu.memory_space<hbm>>
        %dma_wait3A_202 = arith.constant 0 : i32
        %dma_wait3A_203 = tpu.memref_slice %arg4[%dma_wait3A_198, %mul3A_2, %dma_wait3A_202] : memref<50x4096x128xf32, #tpu.memory_space<hbm>> -> memref<1x128x128xf32, #tpu.memory_space<hbm>>
        %dma_wait3A_204 = tpu.memref_squeeze %dma_wait3A_203 : memref<1x128x128xf32, #tpu.memory_space<hbm>> -> memref<128x128xf32, #tpu.memory_space<hbm>>
        tpu.wait_dma2 semaphore(%arg18 : memref<!tpu.dma_semaphore, #tpu.memory_space<semaphore_mem>>) src(%arg8 : memref<128x128xf32, #tpu.memory_space<vmem>>) dst(%dma_wait3A_204 : memref<128x128xf32, #tpu.memory_space<hbm>>)
        %add3A_205 = arith.constant 4 : i32
        %add3A_206 = arith.addi %add3A_151, %add3A_205 : i32
        %dma_start3A_207 = arith.constant 0 : i32
        %dma_start3A_208 = tpu.memref_slice %arg5[%add3A_206, %dma_start3A_207] : memref<50x128xi32, #tpu.memory_space<vmem>> -> memref<1x128xi32, #tpu.memory_space<vmem>>
        %dma_start3A_209 = tpu.memref_squeeze %dma_start3A_208 : memref<1x128xi32, #tpu.memory_space<vmem>> -> memref<128xi32, #tpu.memory_space<vmem>>
        %dma_start3A_210 = arith.constant 0 : i32
        %dma_start3A_211 = arith.constant 0 : i32
        %dma_start3A_212 = tpu.memref_slice %arg2[%dma_start3A_210, %dma_start3A_211] : memref<100000x128xf32, #tpu.memory_space<hbm>> -> memref<100000x128xf32, #tpu.memory_space<hbm>>
        tpu.enqueue_indirect_dma source(%dma_start3A_212 : memref<100000x128xf32, #tpu.memory_space<hbm>>) target(%arg8 : memref<128x128xf32, #tpu.memory_space<vmem>>) offsets(%dma_start3A_209 : memref<128xi32, #tpu.memory_space<vmem>>) semaphore(%arg13 : memref<!tpu.dma_semaphore, #tpu.memory_space<semaphore_mem>>)
      } else {
      }
      %dma_wait3A_157 = arith.constant 0 : i32
      %dma_wait3A_158 = arith.constant 0 : i32
      %dma_wait3A_159 = tpu.memref_slice %arg5[%dma_wait3A_157, %dma_wait3A_158] : memref<50x128xi32, #tpu.memory_space<vmem>> -> memref<1x128xi32, #tpu.memory_space<vmem>>
      %dma_wait3A_160 = tpu.memref_squeeze %dma_wait3A_159 : memref<1x128xi32, #tpu.memory_space<vmem>> -> memref<128xi32, #tpu.memory_space<vmem>>
      %dma_wait3A_161 = arith.constant 0 : i32
      %dma_wait3A_162 = arith.constant 0 : i32
      %dma_wait3A_163 = tpu.memref_slice %arg2[%dma_wait3A_161, %dma_wait3A_162] : memref<100000x128xf32, #tpu.memory_space<hbm>> -> memref<100000x128xf32, #tpu.memory_space<hbm>>
      tpu.wait_indirect_dma semaphore(%arg14 : memref<!tpu.dma_semaphore, #tpu.memory_space<semaphore_mem>>) src(%dma_wait3A_163 : memref<100000x128xf32, #tpu.memory_space<hbm>>) dst(%arg9 : memref<128x128xf32, #tpu.memory_space<vmem>>)
      %parallel_loop3A_164 = arith.constant 0 : i32
      %parallel_loop3A_165 = arith.constant 128 : i32
      %parallel_loop3A_166 = arith.constant 1 : i32
      scf.for %parallel_loop3A_198 = %parallel_loop3A_164 to %parallel_loop3A_165 step %parallel_loop3A_166  : i32 {
        %parallel_loop3A_199 = arith.index_cast %parallel_loop3A_198 : i32 to index
        %parallel_loop3A_200 = arith.constant 0 : index
        %parallel_loop3A_201 = tpu.vector_load %arg9[%parallel_loop3A_199, %parallel_loop3A_200] {strides = array<i32>} : memref<128x128xf32, #tpu.memory_space<vmem>>, vector<1x16xf32>,
        %parallel_loop3A_202 = vector.shape_cast %parallel_loop3A_201 : vector<1x16xf32> to vector<16xf32>
        %parallel_loop3A_203 = arith.constant 11.3137083 : f32
        %parallel_loop3A_204 = vector.broadcast %parallel_loop3A_203 : f32 to vector<16xf32>
        %parallel_loop3A_205 = arith.mulf %parallel_loop3A_202, %parallel_loop3A_204 : vector<16xf32>
        %parallel_loop3A_206 = arith.index_cast %parallel_loop3A_198 : i32 to index
        %parallel_loop3A_207 = arith.constant 0 : index
        %parallel_loop3A_208 = tpu.vector_load %arg9[%parallel_loop3A_206, %parallel_loop3A_207] {strides = array<i32>} : memref<128x128xf32, #tpu.memory_space<vmem>>, vector<1x16xf32>,
        %parallel_loop3A_209 = vector.shape_cast %parallel_loop3A_208 : vector<1x16xf32> to vector<16xf32>
        %parallel_loop3A_210 = vector.shape_cast %parallel_loop3A_205 : vector<16xf32> to vector<1x16xf32>
        tpu.vector_store %arg9[%parallel_loop3A_206, %parallel_loop3A_207], %parallel_loop3A_210 {strides = array<i32>} : memref<128x128xf32, #tpu.memory_space<vmem>>, vector<1x16xf32>,
        %parallel_loop3A_211 = arith.index_cast %parallel_loop3A_198 : i32 to index
        %parallel_loop3A_212 = arith.constant 16 : index
        %parallel_loop3A_213 = tpu.vector_load %arg9[%parallel_loop3A_211, %parallel_loop3A_212] {strides = array<i32>} : memref<128x128xf32, #tpu.memory_space<vmem>>, vector<1x16xf32>,
        %parallel_loop3A_214 = vector.shape_cast %parallel_loop3A_213 : vector<1x16xf32> to vector<16xf32>
        %parallel_loop3A_215 = arith.constant 11.3137083 : f32
        %parallel_loop3A_216 = vector.broadcast %parallel_loop3A_215 : f32 to vector<16xf32>
        %parallel_loop3A_217 = arith.mulf %parallel_loop3A_214, %parallel_loop3A_216 : vector<16xf32>
        %parallel_loop3A_218 = arith.index_cast %parallel_loop3A_198 : i32 to index
        %parallel_loop3A_219 = arith.constant 16 : index
        %parallel_loop3A_220 = tpu.vector_load %arg9[%parallel_loop3A_218, %parallel_loop3A_219] {strides = array<i32>} : memref<128x128xf32, #tpu.memory_space<vmem>>, vector<1x16xf32>,
        %parallel_loop3A_221 = vector.shape_cast %parallel_loop3A_220 : vector<1x16xf32> to vector<16xf32>
        %parallel_loop3A_222 = vector.shape_cast %parallel_loop3A_217 : vector<16xf32> to vector<1x16xf32>
        tpu.vector_store %arg9[%parallel_loop3A_218, %parallel_loop3A_219], %parallel_loop3A_222 {strides = array<i32>} : memref<128x128xf32, #tpu.memory_space<vmem>>, vector<1x16xf32>,
        %parallel_loop3A_223 = arith.index_cast %parallel_loop3A_198 : i32 to index
        %parallel_loop3A_224 = arith.constant 32 : index
        %parallel_loop3A_225 = tpu.vector_load %arg9[%parallel_loop3A_223, %parallel_loop3A_224] {strides = array<i32>} : memref<128x128xf32, #tpu.memory_space<vmem>>, vector<1x16xf32>,
        %parallel_loop3A_226 = vector.shape_cast %parallel_loop3A_225 : vector<1x16xf32> to vector<16xf32>
        %parallel_loop3A_227 = arith.constant 11.3137083 : f32
        %parallel_loop3A_228 = vector.broadcast %parallel_loop3A_227 : f32 to vector<16xf32>
        %parallel_loop3A_229 = arith.mulf %parallel_loop3A_226, %parallel_loop3A_228 : vector<16xf32>
        %parallel_loop3A_230 = arith.index_cast %parallel_loop3A_198 : i32 to index
        %parallel_loop3A_231 = arith.constant 32 : index
        %parallel_loop3A_232 = tpu.vector_load %arg9[%parallel_loop3A_230, %parallel_loop3A_231] {strides = array<i32>} : memref<128x128xf32, #tpu.memory_space<vmem>>, vector<1x16xf32>,
        %parallel_loop3A_233 = vector.shape_cast %parallel_loop3A_232 : vector<1x16xf32> to vector<16xf32>
        %parallel_loop3A_234 = vector.shape_cast %parallel_loop3A_229 : vector<16xf32> to vector<1x16xf32>
        tpu.vector_store %arg9[%parallel_loop3A_230, %parallel_loop3A_231], %parallel_loop3A_234 {strides = array<i32>} : memref<128x128xf32, #tpu.memory_space<vmem>>, vector<1x16xf32>,
        %parallel_loop3A_235 = arith.index_cast %parallel_loop3A_198 : i32 to index
        %parallel_loop3A_236 = arith.constant 48 : index
        %parallel_loop3A_237 = tpu.vector_load %arg9[%parallel_loop3A_235, %parallel_loop3A_236] {strides = array<i32>} : memref<128x128xf32, #tpu.memory_space<vmem>>, vector<1x16xf32>,
        %parallel_loop3A_238 = vector.shape_cast %parallel_loop3A_237 : vector<1x16xf32> to vector<16xf32>
        %parallel_loop3A_239 = arith.constant 11.3137083 : f32
        %parallel_loop3A_240 = vector.broadcast %parallel_loop3A_239 : f32 to vector<16xf32>
        %parallel_loop3A_241 = arith.mulf %parallel_loop3A_238, %parallel_loop3A_240 : vector<16xf32>
        %parallel_loop3A_242 = arith.index_cast %parallel_loop3A_198 : i32 to index
        %parallel_loop3A_243 = arith.constant 48 : index
        %parallel_loop3A_244 = tpu.vector_load %arg9[%parallel_loop3A_242, %parallel_loop3A_243] {strides = array<i32>} : memref<128x128xf32, #tpu.memory_space<vmem>>, vector<1x16xf32>,
        %parallel_loop3A_245 = vector.shape_cast %parallel_loop3A_244 : vector<1x16xf32> to vector<16xf32>
        %parallel_loop3A_246 = vector.shape_cast %parallel_loop3A_241 : vector<16xf32> to vector<1x16xf32>
        tpu.vector_store %arg9[%parallel_loop3A_242, %parallel_loop3A_243], %parallel_loop3A_246 {strides = array<i32>} : memref<128x128xf32, #tpu.memory_space<vmem>>, vector<1x16xf32>,
        %parallel_loop3A_247 = arith.index_cast %parallel_loop3A_198 : i32 to index
        %parallel_loop3A_248 = arith.constant 64 : index
        %parallel_loop3A_249 = tpu.vector_load %arg9[%parallel_loop3A_247, %parallel_loop3A_248] {strides = array<i32>} : memref<128x128xf32, #tpu.memory_space<vmem>>, vector<1x16xf32>,
        %parallel_loop3A_250 = vector.shape_cast %parallel_loop3A_249 : vector<1x16xf32> to vector<16xf32>
        %parallel_loop3A_251 = arith.constant 11.3137083 : f32
        %parallel_loop3A_252 = vector.broadcast %parallel_loop3A_251 : f32 to vector<16xf32>
        %parallel_loop3A_253 = arith.mulf %parallel_loop3A_250, %parallel_loop3A_252 : vector<16xf32>
        %parallel_loop3A_254 = arith.index_cast %parallel_loop3A_198 : i32 to index
        %parallel_loop3A_255 = arith.constant 64 : index
        %parallel_loop3A_256 = tpu.vector_load %arg9[%parallel_loop3A_254, %parallel_loop3A_255] {strides = array<i32>} : memref<128x128xf32, #tpu.memory_space<vmem>>, vector<1x16xf32>,
        %parallel_loop3A_257 = vector.shape_cast %parallel_loop3A_256 : vector<1x16xf32> to vector<16xf32>
        %parallel_loop3A_258 = vector.shape_cast %parallel_loop3A_253 : vector<16xf32> to vector<1x16xf32>
        tpu.vector_store %arg9[%parallel_loop3A_254, %parallel_loop3A_255], %parallel_loop3A_258 {strides = array<i32>} : memref<128x128xf32, #tpu.memory_space<vmem>>, vector<1x16xf32>,
        %parallel_loop3A_259 = arith.index_cast %parallel_loop3A_198 : i32 to index
        %parallel_loop3A_260 = arith.constant 80 : index
        %parallel_loop3A_261 = tpu.vector_load %arg9[%parallel_loop3A_259, %parallel_loop3A_260] {strides = array<i32>} : memref<128x128xf32, #tpu.memory_space<vmem>>, vector<1x16xf32>,
        %parallel_loop3A_262 = vector.shape_cast %parallel_loop3A_261 : vector<1x16xf32> to vector<16xf32>
        %parallel_loop3A_263 = arith.constant 11.3137083 : f32
        %parallel_loop3A_264 = vector.broadcast %parallel_loop3A_263 : f32 to vector<16xf32>
        %parallel_loop3A_265 = arith.mulf %parallel_loop3A_262, %parallel_loop3A_264 : vector<16xf32>
        %parallel_loop3A_266 = arith.index_cast %parallel_loop3A_198 : i32 to index
        %parallel_loop3A_267 = arith.constant 80 : index
        %parallel_loop3A_268 = tpu.vector_load %arg9[%parallel_loop3A_266, %parallel_loop3A_267] {strides = array<i32>} : memref<128x128xf32, #tpu.memory_space<vmem>>, vector<1x16xf32>,
        %parallel_loop3A_269 = vector.shape_cast %parallel_loop3A_268 : vector<1x16xf32> to vector<16xf32>
        %parallel_loop3A_270 = vector.shape_cast %parallel_loop3A_265 : vector<16xf32> to vector<1x16xf32>
        tpu.vector_store %arg9[%parallel_loop3A_266, %parallel_loop3A_267], %parallel_loop3A_270 {strides = array<i32>} : memref<128x128xf32, #tpu.memory_space<vmem>>, vector<1x16xf32>,
        %parallel_loop3A_271 = arith.index_cast %parallel_loop3A_198 : i32 to index
        %parallel_loop3A_272 = arith.constant 96 : index
        %parallel_loop3A_273 = tpu.vector_load %arg9[%parallel_loop3A_271, %parallel_loop3A_272] {strides = array<i32>} : memref<128x128xf32, #tpu.memory_space<vmem>>, vector<1x16xf32>,
        %parallel_loop3A_274 = vector.shape_cast %parallel_loop3A_273 : vector<1x16xf32> to vector<16xf32>
        %parallel_loop3A_275 = arith.constant 11.3137083 : f32
        %parallel_loop3A_276 = vector.broadcast %parallel_loop3A_275 : f32 to vector<16xf32>
        %parallel_loop3A_277 = arith.mulf %parallel_loop3A_274, %parallel_loop3A_276 : vector<16xf32>
        %parallel_loop3A_278 = arith.index_cast %parallel_loop3A_198 : i32 to index
        %parallel_loop3A_279 = arith.constant 96 : index
        %parallel_loop3A_280 = tpu.vector_load %arg9[%parallel_loop3A_278, %parallel_loop3A_279] {strides = array<i32>} : memref<128x128xf32, #tpu.memory_space<vmem>>, vector<1x16xf32>,
        %parallel_loop3A_281 = vector.shape_cast %parallel_loop3A_280 : vector<1x16xf32> to vector<16xf32>
        %parallel_loop3A_282 = vector.shape_cast %parallel_loop3A_277 : vector<16xf32> to vector<1x16xf32>
        tpu.vector_store %arg9[%parallel_loop3A_278, %parallel_loop3A_279], %parallel_loop3A_282 {strides = array<i32>} : memref<128x128xf32, #tpu.memory_space<vmem>>, vector<1x16xf32>,
        %parallel_loop3A_283 = arith.index_cast %parallel_loop3A_198 : i32 to index
        %parallel_loop3A_284 = arith.constant 112 : index
        %parallel_loop3A_285 = tpu.vector_load %arg9[%parallel_loop3A_283, %parallel_loop3A_284] {strides = array<i32>} : memref<128x128xf32, #tpu.memory_space<vmem>>, vector<1x16xf32>,
        %parallel_loop3A_286 = vector.shape_cast %parallel_loop3A_285 : vector<1x16xf32> to vector<16xf32>
        %parallel_loop3A_287 = arith.constant 11.3137083 : f32
        %parallel_loop3A_288 = vector.broadcast %parallel_loop3A_287 : f32 to vector<16xf32>
        %parallel_loop3A_289 = arith.mulf %parallel_loop3A_286, %parallel_loop3A_288 : vector<16xf32>
        %parallel_loop3A_290 = arith.index_cast %parallel_loop3A_198 : i32 to index
        %parallel_loop3A_291 = arith.constant 112 : index
        %parallel_loop3A_292 = tpu.vector_load %arg9[%parallel_loop3A_290, %parallel_loop3A_291] {strides = array<i32>} : memref<128x128xf32, #tpu.memory_space<vmem>>, vector<1x16xf32>,
        %parallel_loop3A_293 = vector.shape_cast %parallel_loop3A_292 : vector<1x16xf32> to vector<16xf32>
        %parallel_loop3A_294 = vector.shape_cast %parallel_loop3A_289 : vector<16xf32> to vector<1x16xf32>
        tpu.vector_store %arg9[%parallel_loop3A_290, %parallel_loop3A_291], %parallel_loop3A_294 {strides = array<i32>} : memref<128x128xf32, #tpu.memory_space<vmem>>, vector<1x16xf32>,
      } {sc.loop_unroll_factor = 2 : i64, sc.parallel_access}
      %dma_start3A_167 = arith.constant 0 : i32
      %dma_start3A_168 = tpu.memref_slice %arg4[%add3A_151, %mul3A_2, %dma_start3A_167] : memref<50x4096x128xf32, #tpu.memory_space<hbm>> -> memref<1x128x128xf32, #tpu.memory_space<hbm>>
      %dma_start3A_169 = tpu.memref_squeeze %dma_start3A_168 : memref<1x128x128xf32, #tpu.memory_space<hbm>> -> memref<128x128xf32, #tpu.memory_space<hbm>>
      %dma_start3A_170 = arith.constant 0 : i32
      %dma_start3A_171 = tpu.memref_slice %arg4[%add3A_151, %mul3A_2, %dma_start3A_170] : memref<50x4096x128xf32, #tpu.memory_space<hbm>> -> memref<1x128x128xf32, #tpu.memory_space<hbm>>
      %dma_start3A_172 = tpu.memref_squeeze %dma_start3A_171 : memref<1x128x128xf32, #tpu.memory_space<hbm>> -> memref<128x128xf32, #tpu.memory_space<hbm>>
      tpu.enqueue_dma source(%arg9 : memref<128x128xf32, #tpu.memory_space<vmem>>) target(%dma_start3A_172 : memref<128x128xf32, #tpu.memory_space<hbm>>) target_semaphore(%arg19 : memref<!tpu.dma_semaphore, #tpu.memory_space<semaphore_mem>>)
      %mul3A_173 = arith.constant 5 : i32
      %mul3A_174 = arith.muli %scan3A_69, %mul3A_173 : i32
      %add3A_175 = arith.constant 4 : i32
      %add3A_176 = arith.addi %mul3A_174, %add3A_175 : i32
      %le3A_177 = arith.constant 8 : i32
      %le3A_178 = arith.cmpi sle, %scan3A_69, %le3A_177 : i32
      %convert_element_type3A_179 = arith.extui %le3A_178 : i1 to i32
      %cond3A_180 = arith.constant 0 : i32
      %cond3A_181 = arith.cmpi ne, %convert_element_type3A_179, %cond3A_180 : i32
      scf.if %cond3A_181 {
        %dma_wait3A_198 = arith.constant 0 : i32
        %dma_wait3A_199 = arith.constant 0 : i32
        %dma_wait3A_200 = tpu.memref_slice %arg4[%dma_wait3A_198, %mul3A_2, %dma_wait3A_199] : memref<50x4096x128xf32, #tpu.memory_space<hbm>> -> memref<1x128x128xf32, #tpu.memory_space<hbm>>
        %dma_wait3A_201 = tpu.memref_squeeze %dma_wait3A_200 : memref<1x128x128xf32, #tpu.memory_space<hbm>> -> memref<128x128xf32, #tpu.memory_space<hbm>>
        %dma_wait3A_202 = arith.constant 0 : i32
        %dma_wait3A_203 = tpu.memref_slice %arg4[%dma_wait3A_198, %mul3A_2, %dma_wait3A_202] : memref<50x4096x128xf32, #tpu.memory_space<hbm>> -> memref<1x128x128xf32, #tpu.memory_space<hbm>>
        %dma_wait3A_204 = tpu.memref_squeeze %dma_wait3A_203 : memref<1x128x128xf32, #tpu.memory_space<hbm>> -> memref<128x128xf32, #tpu.memory_space<hbm>>
        tpu.wait_dma2 semaphore(%arg19 : memref<!tpu.dma_semaphore, #tpu.memory_space<semaphore_mem>>) src(%arg9 : memref<128x128xf32, #tpu.memory_space<vmem>>) dst(%dma_wait3A_204 : memref<128x128xf32, #tpu.memory_space<hbm>>)
        %add3A_205 = arith.constant 4 : i32
        %add3A_206 = arith.addi %add3A_176, %add3A_205 : i32
        %dma_start3A_207 = arith.constant 0 : i32
        %dma_start3A_208 = tpu.memref_slice %arg5[%add3A_206, %dma_start3A_207] : memref<50x128xi32, #tpu.memory_space<vmem>> -> memref<1x128xi32, #tpu.memory_space<vmem>>
        %dma_start3A_209 = tpu.memref_squeeze %dma_start3A_208 : memref<1x128xi32, #tpu.memory_space<vmem>> -> memref<128xi32, #tpu.memory_space<vmem>>
        %dma_start3A_210 = arith.constant 0 : i32
        %dma_start3A_211 = arith.constant 0 : i32
        %dma_start3A_212 = tpu.memref_slice %arg2[%dma_start3A_210, %dma_start3A_211] : memref<100000x128xf32, #tpu.memory_space<hbm>> -> memref<100000x128xf32, #tpu.memory_space<hbm>>
        tpu.enqueue_indirect_dma source(%dma_start3A_212 : memref<100000x128xf32, #tpu.memory_space<hbm>>) target(%arg9 : memref<128x128xf32, #tpu.memory_space<vmem>>) offsets(%dma_start3A_209 : memref<128xi32, #tpu.memory_space<vmem>>) semaphore(%arg14 : memref<!tpu.dma_semaphore, #tpu.memory_space<semaphore_mem>>)
      } else {
      }
      %dma_wait3A_182 = arith.constant 0 : i32
      %dma_wait3A_183 = arith.constant 0 : i32
      %dma_wait3A_184 = tpu.memref_slice %arg5[%dma_wait3A_182, %dma_wait3A_183] : memref<50x128xi32, #tpu.memory_space<vmem>> -> memref<1x128xi32, #tpu.memory_space<vmem>>
      %dma_wait3A_185 = tpu.memref_squeeze %dma_wait3A_184 : memref<1x128xi32, #tpu.memory_space<vmem>> -> memref<128xi32, #tpu.memory_space<vmem>>
      %dma_wait3A_186 = arith.constant 0 : i32
      %dma_wait3A_187 = arith.constant 0 : i32
      %dma_wait3A_188 = tpu.memref_slice %arg2[%dma_wait3A_186, %dma_wait3A_187] : memref<100000x128xf32, #tpu.memory_space<hbm>> -> memref<100000x128xf32, #tpu.memory_space<hbm>>
      tpu.wait_indirect_dma semaphore(%arg15 : memref<!tpu.dma_semaphore, #tpu.memory_space<semaphore_mem>>) src(%dma_wait3A_188 : memref<100000x128xf32, #tpu.memory_space<hbm>>) dst(%arg10 : memref<128x128xf32, #tpu.memory_space<vmem>>)
      %parallel_loop3A_189 = arith.constant 0 : i32
      %parallel_loop3A_190 = arith.constant 128 : i32
      %parallel_loop3A_191 = arith.constant 1 : i32
      scf.for %parallel_loop3A_198 = %parallel_loop3A_189 to %parallel_loop3A_190 step %parallel_loop3A_191  : i32 {
        %parallel_loop3A_199 = arith.index_cast %parallel_loop3A_198 : i32 to index
        %parallel_loop3A_200 = arith.constant 0 : index
        %parallel_loop3A_201 = tpu.vector_load %arg10[%parallel_loop3A_199, %parallel_loop3A_200] {strides = array<i32>} : memref<128x128xf32, #tpu.memory_space<vmem>>, vector<1x16xf32>,
        %parallel_loop3A_202 = vector.shape_cast %parallel_loop3A_201 : vector<1x16xf32> to vector<16xf32>
        %parallel_loop3A_203 = arith.constant 11.3137083 : f32
        %parallel_loop3A_204 = vector.broadcast %parallel_loop3A_203 : f32 to vector<16xf32>
        %parallel_loop3A_205 = arith.mulf %parallel_loop3A_202, %parallel_loop3A_204 : vector<16xf32>
        %parallel_loop3A_206 = arith.index_cast %parallel_loop3A_198 : i32 to index
        %parallel_loop3A_207 = arith.constant 0 : index
        %parallel_loop3A_208 = tpu.vector_load %arg10[%parallel_loop3A_206, %parallel_loop3A_207] {strides = array<i32>} : memref<128x128xf32, #tpu.memory_space<vmem>>, vector<1x16xf32>,
        %parallel_loop3A_209 = vector.shape_cast %parallel_loop3A_208 : vector<1x16xf32> to vector<16xf32>
        %parallel_loop3A_210 = vector.shape_cast %parallel_loop3A_205 : vector<16xf32> to vector<1x16xf32>
        tpu.vector_store %arg10[%parallel_loop3A_206, %parallel_loop3A_207], %parallel_loop3A_210 {strides = array<i32>} : memref<128x128xf32, #tpu.memory_space<vmem>>, vector<1x16xf32>,
        %parallel_loop3A_211 = arith.index_cast %parallel_loop3A_198 : i32 to index
        %parallel_loop3A_212 = arith.constant 16 : index
        %parallel_loop3A_213 = tpu.vector_load %arg10[%parallel_loop3A_211, %parallel_loop3A_212] {strides = array<i32>} : memref<128x128xf32, #tpu.memory_space<vmem>>, vector<1x16xf32>,
        %parallel_loop3A_214 = vector.shape_cast %parallel_loop3A_213 : vector<1x16xf32> to vector<16xf32>
        %parallel_loop3A_215 = arith.constant 11.3137083 : f32
        %parallel_loop3A_216 = vector.broadcast %parallel_loop3A_215 : f32 to vector<16xf32>
        %parallel_loop3A_217 = arith.mulf %parallel_loop3A_214, %parallel_loop3A_216 : vector<16xf32>
        %parallel_loop3A_218 = arith.index_cast %parallel_loop3A_198 : i32 to index
        %parallel_loop3A_219 = arith.constant 16 : index
        %parallel_loop3A_220 = tpu.vector_load %arg10[%parallel_loop3A_218, %parallel_loop3A_219] {strides = array<i32>} : memref<128x128xf32, #tpu.memory_space<vmem>>, vector<1x16xf32>,
        %parallel_loop3A_221 = vector.shape_cast %parallel_loop3A_220 : vector<1x16xf32> to vector<16xf32>
        %parallel_loop3A_222 = vector.shape_cast %parallel_loop3A_217 : vector<16xf32> to vector<1x16xf32>
        tpu.vector_store %arg10[%parallel_loop3A_218, %parallel_loop3A_219], %parallel_loop3A_222 {strides = array<i32>} : memref<128x128xf32, #tpu.memory_space<vmem>>, vector<1x16xf32>,
        %parallel_loop3A_223 = arith.index_cast %parallel_loop3A_198 : i32 to index
        %parallel_loop3A_224 = arith.constant 32 : index
        %parallel_loop3A_225 = tpu.vector_load %arg10[%parallel_loop3A_223, %parallel_loop3A_224] {strides = array<i32>} : memref<128x128xf32, #tpu.memory_space<vmem>>, vector<1x16xf32>,
        %parallel_loop3A_226 = vector.shape_cast %parallel_loop3A_225 : vector<1x16xf32> to vector<16xf32>
        %parallel_loop3A_227 = arith.constant 11.3137083 : f32
        %parallel_loop3A_228 = vector.broadcast %parallel_loop3A_227 : f32 to vector<16xf32>
        %parallel_loop3A_229 = arith.mulf %parallel_loop3A_226, %parallel_loop3A_228 : vector<16xf32>
        %parallel_loop3A_230 = arith.index_cast %parallel_loop3A_198 : i32 to index
        %parallel_loop3A_231 = arith.constant 32 : index
        %parallel_loop3A_232 = tpu.vector_load %arg10[%parallel_loop3A_230, %parallel_loop3A_231] {strides = array<i32>} : memref<128x128xf32, #tpu.memory_space<vmem>>, vector<1x16xf32>,
        %parallel_loop3A_233 = vector.shape_cast %parallel_loop3A_232 : vector<1x16xf32> to vector<16xf32>
        %parallel_loop3A_234 = vector.shape_cast %parallel_loop3A_229 : vector<16xf32> to vector<1x16xf32>
        tpu.vector_store %arg10[%parallel_loop3A_230, %parallel_loop3A_231], %parallel_loop3A_234 {strides = array<i32>} : memref<128x128xf32, #tpu.memory_space<vmem>>, vector<1x16xf32>,
        %parallel_loop3A_235 = arith.index_cast %parallel_loop3A_198 : i32 to index
        %parallel_loop3A_236 = arith.constant 48 : index
        %parallel_loop3A_237 = tpu.vector_load %arg10[%parallel_loop3A_235, %parallel_loop3A_236] {strides = array<i32>} : memref<128x128xf32, #tpu.memory_space<vmem>>, vector<1x16xf32>,
        %parallel_loop3A_238 = vector.shape_cast %parallel_loop3A_237 : vector<1x16xf32> to vector<16xf32>
        %parallel_loop3A_239 = arith.constant 11.3137083 : f32
        %parallel_loop3A_240 = vector.broadcast %parallel_loop3A_239 : f32 to vector<16xf32>
        %parallel_loop3A_241 = arith.mulf %parallel_loop3A_238, %parallel_loop3A_240 : vector<16xf32>
        %parallel_loop3A_242 = arith.index_cast %parallel_loop3A_198 : i32 to index
        %parallel_loop3A_243 = arith.constant 48 : index
        %parallel_loop3A_244 = tpu.vector_load %arg10[%parallel_loop3A_242, %parallel_loop3A_243] {strides = array<i32>} : memref<128x128xf32, #tpu.memory_space<vmem>>, vector<1x16xf32>,
        %parallel_loop3A_245 = vector.shape_cast %parallel_loop3A_244 : vector<1x16xf32> to vector<16xf32>
        %parallel_loop3A_246 = vector.shape_cast %parallel_loop3A_241 : vector<16xf32> to vector<1x16xf32>
        tpu.vector_store %arg10[%parallel_loop3A_242, %parallel_loop3A_243], %parallel_loop3A_246 {strides = array<i32>} : memref<128x128xf32, #tpu.memory_space<vmem>>, vector<1x16xf32>,
        %parallel_loop3A_247 = arith.index_cast %parallel_loop3A_198 : i32 to index
        %parallel_loop3A_248 = arith.constant 64 : index
        %parallel_loop3A_249 = tpu.vector_load %arg10[%parallel_loop3A_247, %parallel_loop3A_248] {strides = array<i32>} : memref<128x128xf32, #tpu.memory_space<vmem>>, vector<1x16xf32>,
        %parallel_loop3A_250 = vector.shape_cast %parallel_loop3A_249 : vector<1x16xf32> to vector<16xf32>
        %parallel_loop3A_251 = arith.constant 11.3137083 : f32
        %parallel_loop3A_252 = vector.broadcast %parallel_loop3A_251 : f32 to vector<16xf32>
        %parallel_loop3A_253 = arith.mulf %parallel_loop3A_250, %parallel_loop3A_252 : vector<16xf32>
        %parallel_loop3A_254 = arith.index_cast %parallel_loop3A_198 : i32 to index
        %parallel_loop3A_255 = arith.constant 64 : index
        %parallel_loop3A_256 = tpu.vector_load %arg10[%parallel_loop3A_254, %parallel_loop3A_255] {strides = array<i32>} : memref<128x128xf32, #tpu.memory_space<vmem>>, vector<1x16xf32>,
        %parallel_loop3A_257 = vector.shape_cast %parallel_loop3A_256 : vector<1x16xf32> to vector<16xf32>
        %parallel_loop3A_258 = vector.shape_cast %parallel_loop3A_253 : vector<16xf32> to vector<1x16xf32>
        tpu.vector_store %arg10[%parallel_loop3A_254, %parallel_loop3A_255], %parallel_loop3A_258 {strides = array<i32>} : memref<128x128xf32, #tpu.memory_space<vmem>>, vector<1x16xf32>,
        %parallel_loop3A_259 = arith.index_cast %parallel_loop3A_198 : i32 to index
        %parallel_loop3A_260 = arith.constant 80 : index
        %parallel_loop3A_261 = tpu.vector_load %arg10[%parallel_loop3A_259, %parallel_loop3A_260] {strides = array<i32>} : memref<128x128xf32, #tpu.memory_space<vmem>>, vector<1x16xf32>,
        %parallel_loop3A_262 = vector.shape_cast %parallel_loop3A_261 : vector<1x16xf32> to vector<16xf32>
        %parallel_loop3A_263 = arith.constant 11.3137083 : f32
        %parallel_loop3A_264 = vector.broadcast %parallel_loop3A_263 : f32 to vector<16xf32>
        %parallel_loop3A_265 = arith.mulf %parallel_loop3A_262, %parallel_loop3A_264 : vector<16xf32>
        %parallel_loop3A_266 = arith.index_cast %parallel_loop3A_198 : i32 to index
        %parallel_loop3A_267 = arith.constant 80 : index
        %parallel_loop3A_268 = tpu.vector_load %arg10[%parallel_loop3A_266, %parallel_loop3A_267] {strides = array<i32>} : memref<128x128xf32, #tpu.memory_space<vmem>>, vector<1x16xf32>,
        %parallel_loop3A_269 = vector.shape_cast %parallel_loop3A_268 : vector<1x16xf32> to vector<16xf32>
        %parallel_loop3A_270 = vector.shape_cast %parallel_loop3A_265 : vector<16xf32> to vector<1x16xf32>
        tpu.vector_store %arg10[%parallel_loop3A_266, %parallel_loop3A_267], %parallel_loop3A_270 {strides = array<i32>} : memref<128x128xf32, #tpu.memory_space<vmem>>, vector<1x16xf32>,
        %parallel_loop3A_271 = arith.index_cast %parallel_loop3A_198 : i32 to index
        %parallel_loop3A_272 = arith.constant 96 : index
        %parallel_loop3A_273 = tpu.vector_load %arg10[%parallel_loop3A_271, %parallel_loop3A_272] {strides = array<i32>} : memref<128x128xf32, #tpu.memory_space<vmem>>, vector<1x16xf32>,
        %parallel_loop3A_274 = vector.shape_cast %parallel_loop3A_273 : vector<1x16xf32> to vector<16xf32>
        %parallel_loop3A_275 = arith.constant 11.3137083 : f32
        %parallel_loop3A_276 = vector.broadcast %parallel_loop3A_275 : f32 to vector<16xf32>
        %parallel_loop3A_277 = arith.mulf %parallel_loop3A_274, %parallel_loop3A_276 : vector<16xf32>
        %parallel_loop3A_278 = arith.index_cast %parallel_loop3A_198 : i32 to index
        %parallel_loop3A_279 = arith.constant 96 : index
        %parallel_loop3A_280 = tpu.vector_load %arg10[%parallel_loop3A_278, %parallel_loop3A_279] {strides = array<i32>} : memref<128x128xf32, #tpu.memory_space<vmem>>, vector<1x16xf32>,
        %parallel_loop3A_281 = vector.shape_cast %parallel_loop3A_280 : vector<1x16xf32> to vector<16xf32>
        %parallel_loop3A_282 = vector.shape_cast %parallel_loop3A_277 : vector<16xf32> to vector<1x16xf32>
        tpu.vector_store %arg10[%parallel_loop3A_278, %parallel_loop3A_279], %parallel_loop3A_282 {strides = array<i32>} : memref<128x128xf32, #tpu.memory_space<vmem>>, vector<1x16xf32>,
        %parallel_loop3A_283 = arith.index_cast %parallel_loop3A_198 : i32 to index
        %parallel_loop3A_284 = arith.constant 112 : index
        %parallel_loop3A_285 = tpu.vector_load %arg10[%parallel_loop3A_283, %parallel_loop3A_284] {strides = array<i32>} : memref<128x128xf32, #tpu.memory_space<vmem>>, vector<1x16xf32>,
        %parallel_loop3A_286 = vector.shape_cast %parallel_loop3A_285 : vector<1x16xf32> to vector<16xf32>
        %parallel_loop3A_287 = arith.constant 11.3137083 : f32
        %parallel_loop3A_288 = vector.broadcast %parallel_loop3A_287 : f32 to vector<16xf32>
        %parallel_loop3A_289 = arith.mulf %parallel_loop3A_286, %parallel_loop3A_288 : vector<16xf32>
        %parallel_loop3A_290 = arith.index_cast %parallel_loop3A_198 : i32 to index
        %parallel_loop3A_291 = arith.constant 112 : index
        %parallel_loop3A_292 = tpu.vector_load %arg10[%parallel_loop3A_290, %parallel_loop3A_291] {strides = array<i32>} : memref<128x128xf32, #tpu.memory_space<vmem>>, vector<1x16xf32>,
        %parallel_loop3A_293 = vector.shape_cast %parallel_loop3A_292 : vector<1x16xf32> to vector<16xf32>
        %parallel_loop3A_294 = vector.shape_cast %parallel_loop3A_289 : vector<16xf32> to vector<1x16xf32>
        tpu.vector_store %arg10[%parallel_loop3A_290, %parallel_loop3A_291], %parallel_loop3A_294 {strides = array<i32>} : memref<128x128xf32, #tpu.memory_space<vmem>>, vector<1x16xf32>,
      } {sc.loop_unroll_factor = 2 : i64, sc.parallel_access}
      %dma_start3A_192 = arith.constant 0 : i32
      %dma_start3A_193 = tpu.memref_slice %arg4[%add3A_176, %mul3A_2, %dma_start3A_192] : memref<50x4096x128xf32, #tpu.memory_space<hbm>> -> memref<1x128x128xf32, #tpu.memory_space<hbm>>
      %dma_start3A_194 = tpu.memref_squeeze %dma_start3A_193 : memref<1x128x128xf32, #tpu.memory_space<hbm>> -> memref<128x128xf32, #tpu.memory_space<hbm>>
      %dma_start3A_195 = arith.constant 0 : i32
      %dma_start3A_196 = tpu.memref_slice %arg4[%add3A_176, %mul3A_2, %dma_start3A_195] : memref<50x4096x128xf32, #tpu.memory_space<hbm>> -> memref<1x128x128xf32, #tpu.memory_space<hbm>>
      %dma_start3A_197 = tpu.memref_squeeze %dma_start3A_196 : memref<1x128x128xf32, #tpu.memory_space<hbm>> -> memref<128x128xf32, #tpu.memory_space<hbm>>
      tpu.enqueue_dma source(%arg10 : memref<128x128xf32, #tpu.memory_space<vmem>>) target(%dma_start3A_197 : memref<128x128xf32, #tpu.memory_space<hbm>>) target_semaphore(%arg20 : memref<!tpu.dma_semaphore, #tpu.memory_space<semaphore_mem>>)
    }
    %scan3A_34 = arith.constant 10 : i32
    %dma_wait3A = arith.constant 0 : i32
    %dma_wait3A_35 = arith.constant 0 : i32
    %dma_wait3A_36 = tpu.memref_slice %arg4[%dma_wait3A, %mul3A_2, %dma_wait3A_35] : memref<50x4096x128xf32, #tpu.memory_space<hbm>> -> memref<1x128x128xf32, #tpu.memory_space<hbm>>
    %dma_wait3A_37 = tpu.memref_squeeze %dma_wait3A_36 : memref<1x128x128xf32, #tpu.memory_space<hbm>> -> memref<128x128xf32, #tpu.memory_space<hbm>>
    %dma_wait3A_38 = arith.constant 0 : i32
    %dma_wait3A_39 = tpu.memref_slice %arg4[%dma_wait3A, %mul3A_2, %dma_wait3A_38] : memref<50x4096x128xf32, #tpu.memory_space<hbm>> -> memref<1x128x128xf32, #tpu.memory_space<hbm>>
    %dma_wait3A_40 = tpu.memref_squeeze %dma_wait3A_39 : memref<1x128x128xf32, #tpu.memory_space<hbm>> -> memref<128x128xf32, #tpu.memory_space<hbm>>
    tpu.wait_dma2 semaphore(%arg16 : memref<!tpu.dma_semaphore, #tpu.memory_space<semaphore_mem>>) src(%arg6 : memref<128x128xf32, #tpu.memory_space<vmem>>) dst(%dma_wait3A_40 : memref<128x128xf32, #tpu.memory_space<hbm>>)
    %dma_wait3A_41 = arith.constant 0 : i32
    %dma_wait3A_42 = arith.constant 0 : i32
    %dma_wait3A_43 = tpu.memref_slice %arg4[%dma_wait3A_41, %mul3A_2, %dma_wait3A_42] : memref<50x4096x128xf32, #tpu.memory_space<hbm>> -> memref<1x128x128xf32, #tpu.memory_space<hbm>>
    %dma_wait3A_44 = tpu.memref_squeeze %dma_wait3A_43 : memref<1x128x128xf32, #tpu.memory_space<hbm>> -> memref<128x128xf32, #tpu.memory_space<hbm>>
    %dma_wait3A_45 = arith.constant 0 : i32
    %dma_wait3A_46 = tpu.memref_slice %arg4[%dma_wait3A_41, %mul3A_2, %dma_wait3A_45] : memref<50x4096x128xf32, #tpu.memory_space<hbm>> -> memref<1x128x128xf32, #tpu.memory_space<hbm>>
    %dma_wait3A_47 = tpu.memref_squeeze %dma_wait3A_46 : memref<1x128x128xf32, #tpu.memory_space<hbm>> -> memref<128x128xf32, #tpu.memory_space<hbm>>
    tpu.wait_dma2 semaphore(%arg17 : memref<!tpu.dma_semaphore, #tpu.memory_space<semaphore_mem>>) src(%arg7 : memref<128x128xf32, #tpu.memory_space<vmem>>) dst(%dma_wait3A_47 : memref<128x128xf32, #tpu.memory_space<hbm>>)
    %dma_wait3A_48 = arith.constant 0 : i32
    %dma_wait3A_49 = arith.constant 0 : i32
    %dma_wait3A_50 = tpu.memref_slice %arg4[%dma_wait3A_48, %mul3A_2, %dma_wait3A_49] : memref<50x4096x128xf32, #tpu.memory_space<hbm>> -> memref<1x128x128xf32, #tpu.memory_space<hbm>>
    %dma_wait3A_51 = tpu.memref_squeeze %dma_wait3A_50 : memref<1x128x128xf32, #tpu.memory_space<hbm>> -> memref<128x128xf32, #tpu.memory_space<hbm>>
    %dma_wait3A_52 = arith.constant 0 : i32
    %dma_wait3A_53 = tpu.memref_slice %arg4[%dma_wait3A_48, %mul3A_2, %dma_wait3A_52] : memref<50x4096x128xf32, #tpu.memory_space<hbm>> -> memref<1x128x128xf32, #tpu.memory_space<hbm>>
    %dma_wait3A_54 = tpu.memref_squeeze %dma_wait3A_53 : memref<1x128x128xf32, #tpu.memory_space<hbm>> -> memref<128x128xf32, #tpu.memory_space<hbm>>
    tpu.wait_dma2 semaphore(%arg18 : memref<!tpu.dma_semaphore, #tpu.memory_space<semaphore_mem>>) src(%arg8 : memref<128x128xf32, #tpu.memory_space<vmem>>) dst(%dma_wait3A_54 : memref<128x128xf32, #tpu.memory_space<hbm>>)
    %dma_wait3A_55 = arith.constant 0 : i32
    %dma_wait3A_56 = arith.constant 0 : i32
    %dma_wait3A_57 = tpu.memref_slice %arg4[%dma_wait3A_55, %mul3A_2, %dma_wait3A_56] : memref<50x4096x128xf32, #tpu.memory_space<hbm>> -> memref<1x128x128xf32, #tpu.memory_space<hbm>>
    %dma_wait3A_58 = tpu.memref_squeeze %dma_wait3A_57 : memref<1x128x128xf32, #tpu.memory_space<hbm>> -> memref<128x128xf32, #tpu.memory_space<hbm>>
    %dma_wait3A_59 = arith.constant 0 : i32
    %dma_wait3A_60 = tpu.memref_slice %arg4[%dma_wait3A_55, %mul3A_2, %dma_wait3A_59] : memref<50x4096x128xf32, #tpu.memory_space<hbm>> -> memref<1x128x128xf32, #tpu.memory_space<hbm>>
    %dma_wait3A_61 = tpu.memref_squeeze %dma_wait3A_60 : memref<1x128x128xf32, #tpu.memory_space<hbm>> -> memref<128x128xf32, #tpu.memory_space<hbm>>
    tpu.wait_dma2 semaphore(%arg19 : memref<!tpu.dma_semaphore, #tpu.memory_space<semaphore_mem>>) src(%arg9 : memref<128x128xf32, #tpu.memory_space<vmem>>) dst(%dma_wait3A_61 : memref<128x128xf32, #tpu.memory_space<hbm>>)
    %dma_wait3A_62 = arith.constant 0 : i32
    %dma_wait3A_63 = arith.constant 0 : i32
    %dma_wait3A_64 = tpu.memref_slice %arg4[%dma_wait3A_62, %mul3A_2, %dma_wait3A_63] : memref<50x4096x128xf32, #tpu.memory_space<hbm>> -> memref<1x128x128xf32, #tpu.memory_space<hbm>>
    %dma_wait3A_65 = tpu.memref_squeeze %dma_wait3A_64 : memref<1x128x128xf32, #tpu.memory_space<hbm>> -> memref<128x128xf32, #tpu.memory_space<hbm>>
    %dma_wait3A_66 = arith.constant 0 : i32
    %dma_wait3A_67 = tpu.memref_slice %arg4[%dma_wait3A_62, %mul3A_2, %dma_wait3A_66] : memref<50x4096x128xf32, #tpu.memory_space<hbm>> -> memref<1x128x128xf32, #tpu.memory_space<hbm>>
    %dma_wait3A_68 = tpu.memref_squeeze %dma_wait3A_67 : memref<1x128x128xf32, #tpu.memory_space<hbm>> -> memref<128x128xf32, #tpu.memory_space<hbm>>
    tpu.wait_dma2 semaphore(%arg20 : memref<!tpu.dma_semaphore, #tpu.memory_space<semaphore_mem>>) src(%arg10 : memref<128x128xf32, #tpu.memory_space<vmem>>) dst(%dma_wait3A_68 : memref<128x128xf32, #tpu.memory_space<hbm>>)
    return
  }
}

</mosaic_0001>

<sc_bundles>
// kernel: kernel.3.cloned.1.call-start
scs
__scs_entry_jumppad:
0x0: {  	(pc) =	sbr.rel $0x88, $3  }
0x1: {  	(tag) =	ssettag $0x0;
	lr =	simm.s32 $0x1  }
0x2: {  	[smem:$0x3F9F] =	sst lr;
	_ =	strace $0xD0000000  }
0x3: {  	_ = 	snop  }
0x4: {  	_ = 	snop  }
0x5: {  	_ = 	snop  }
0x6: {  	_ = 	snop  }
0x7: {  	_ = 	snop  }
__scs_overlays_trampoline_lowered:
0x8: {  	[smem:$0x3FAE] =	sst s0  }
0x9: {  	[smem:$0x3FAF] =	sst s1  }
0xa: {  	[smem:$0x3FB0] =	sst s2  }
0xb: {  	[smem:$0x3FB1] =	sst s3  }
0xc: {  	[smem:$0x3FB2] =	sst s4  }
0xd: {  	[smem:$0x3FB3] =	sst s5  }
0xe: {  	[smem:$0x3FB4] =	sst s6  }
0xf: {  	[smem:$0x3FB5] =	sst s7  }
0x10: {  	[smem:$0x3FB6] =	sst s8  }
0x11: {  	[smem:$0x3FB7] =	sst s9;
	s0 =	simm.s32 @!p0 $0x0  }
0x12: {  	s1 =	sld [smem:$0x3F9D];
	s0 =	simm.s32 @p0 $0x1  }
0x13: {  	[smem:$0x3FB8] =	sst s0;
	s0 =	simm.s32 @!p1 $0x0  }
0x14: {  	s2 =	sld [smem:$0x3F9C];
	s0 =	simm.s32 @p1 $0x1  }
0x15: {  	[smem:$0x3FB9] =	sst s0;
	s0 =	simm.s32 @!p2 $0x0  }
0x16: {  	s3 =	sld [smem:$0x3FDB];
	s0 =	simm.s32 @p2 $0x1  }
0x17: {  	s4 =	simm.s32 $0x1BF5;
	[smem:$0x3FBB] =	sst s0  }
0x18: {  	s0 =	sld [smem:$0x3F9E];
	_ =	swait.ge [sflag:s4], $0x0  }
0x19: {  	s7 =	sld [smem:$0x3F9F]  }
0x1a: {  	s8 =	sadd.s32 $0xFFFFE003, lr  }
0x1b: {  	s9 =	sadd.s32 $0xFFFFFEF7, lr;
	s5 =	simm.s32 $0xFFFFFFFF;
	p2 =	slt.u32 s8, $0xFFFFF086  }
0x1c: {  	p1 =	slt.u32 s9, $0xF7A;
	s5 =	simm.s32 @!p2 $0x0  }
0x1d: {  	s5 =	simm.s32 @p1 $0x1;
	p0 =	seq.s32 s7, s2  }
0x1e: {  	s7 =	smul.u32 @!p0 $0xF7A, s2;
	p2 =	seq.s32 @!p0 s5, $0x0  }
0x1f: {  	s9 =	smul.u32 $0xF7A, s1;
	s8 =	simm.s32 @!p0 $0x1BF5;
	p2 =	por !p2, p0  }
0x20: {  	[sflag:s8] =	ssyncset.s32 @!p0 $0xFFFFF086;
	s6 =	sadd.s32 @!p0 s3, s7;
	s7 =	simm.s32 @!p0 $0x108  }
0x21: {  	s3 =	sadd.s32 s3, s9;
	s6 =	sadd.s32 @!p0 $0x88, s6;
	s7 =	simm.s32 @p2 $0x1082  }
0x22: {  	[simem:s7], [sflag:s8] =	dma.local @!p0 [hbm:s6], $0xF7A  }
0x23: {  	s9 =	sor.u32 $0xD0000000, s2;
	s6 =	simm.s32 $0x108;
	_ =	swait.ge @!p0 [sflag:s8], $0x0  }
0x24: {  	s3 =	sadd.s32 $0x88, s3;
	s6 =	simm.s32 @!p1 $0x1082;
	[sflag:s4] =	ssyncset.s32 $0xFFFFF086  }
0x25: {  	[simem:s6], [sflag:s4] =	dma.local [hbm:s3], $0xF7A  }
0x26: {  	[smem:$0x3F9F] =	sst s1;
	(tag) =	ssettag s2;
	_ =	strace s9  }
0x27: {  	s1 =	sld [smem:$0x3FAF]  }
0x28: {  	s2 =	sld [smem:$0x3FB0]  }
0x29: {  	s4 =	sld [smem:$0x3FB2]  }
0x2a: {  	p0 =	seq.s32 s5, $0x0;
	s5 =	sld [smem:$0x3FB3]  }
0x2b: {  	s6 =	sld [smem:$0x3FB4]  }
0x2c: {  	s7 =	sld [smem:$0x3FB5]  }
0x2d: {  	s3 =	simm.s32 $0x108;
	s8 =	sld [smem:$0x3FB6]  }
0x2e: {  	s3 =	simm.s32 @!p0 $0x1082;
	s9 =	sld [smem:$0x3FB7]  }
0x2f: {  	lr =	sadd.s32 s0, s3;
	s0 =	sld [smem:$0x3FAE]  }
0x30: {  	s3 =	sld [smem:$0x3FB1]  }
0x31: {  	[smem:$0x3FBA] =	sst s10  }
0x32: {  	s10 =	sld [smem:$0x3FB8];
	_ =	sdelay $0x3  }
0x33: {  	p0 =	seq.s32 s10, $0x1;
	s10 =	sld [smem:$0x3FBA];
	_ =	sdelay $0x3  }
0x34: {  	[smem:$0x3FBA] =	sst s10  }
0x35: {  	s10 =	sld [smem:$0x3FB9];
	_ =	sdelay $0x3  }
0x36: {  	p1 =	seq.s32 s10, $0x1;
	s10 =	sld [smem:$0x3FBA];
	_ =	sdelay $0x3  }
0x37: {  	[smem:$0x3FBA] =	sst s10  }
0x38: {  	s10 =	sld [smem:$0x3FBB]  }
0x39: {  	_ = 	snop;
	(pc) =	sbr.ind lr, $3  }
0x3a: {  	_ = 	snop  }
0x3b: {  	_ = 	snop  }
0x3c: {  	p2 =	seq.s32 s10, $0x1;
	s10 =	sld [smem:$0x3FBA]  }
0x3d: {  	_ =	shalt  }
0x3e: {  	_ =	shalt  }
0x3f: {  	_ =	shalt  }
0x40: {  	_ =	shalt  }
0x41: {  	_ =	shalt  }
0x42: {  	_ =	shalt  }
0x43: {  	_ =	shalt  }
0x44: {  	_ =	shalt  }
0x45: {  	_ =	shalt  }
0x46: {  	_ =	shalt  }
0x47: {  	_ =	shalt  }
0x48: {  	_ =	shalt  }
0x49: {  	_ =	shalt  }
0x4a: {  	_ =	shalt  }
0x4b: {  	_ =	shalt  }
0x4c: {  	_ =	shalt  }
0x4d: {  	_ =	shalt  }
0x4e: {  	_ =	shalt  }
0x4f: {  	_ =	shalt  }
0x50: {  	_ =	shalt  }
0x51: {  	_ =	shalt  }
0x52: {  	_ =	shalt  }
0x53: {  	_ =	shalt  }
0x54: {  	_ =	shalt  }
0x55: {  	_ =	shalt  }
0x56: {  	_ =	shalt  }
0x57: {  	_ =	shalt  }
0x58: {  	_ =	shalt  }
0x59: {  	_ =	shalt  }
0x5a: {  	_ =	shalt  }
0x5b: {  	_ =	shalt  }
0x5c: {  	_ =	shalt  }
0x5d: {  	_ =	shalt  }
0x5e: {  	_ =	shalt  }
0x5f: {  	_ =	shalt  }
0x60: {  	_ =	shalt  }
0x61: {  	_ =	shalt  }
0x62: {  	_ =	shalt  }
0x63: {  	_ =	shalt  }
0x64: {  	_ =	shalt  }
0x65: {  	_ =	shalt  }
0x66: {  	_ =	shalt  }
0x67: {  	_ =	shalt  }
0x68: {  	_ =	shalt  }
0x69: {  	_ =	shalt  }
0x6a: {  	_ =	shalt  }
0x6b: {  	_ =	shalt  }
0x6c: {  	_ =	shalt  }
0x6d: {  	_ =	shalt  }
0x6e: {  	_ =	shalt  }
0x6f: {  	_ =	shalt  }
0x70: {  	_ =	shalt  }
0x71: {  	_ =	shalt  }
0x72: {  	_ =	shalt  }
0x73: {  	_ =	shalt  }
0x74: {  	_ =	shalt  }
0x75: {  	_ =	shalt  }
0x76: {  	_ =	shalt  }
0x77: {  	_ =	shalt  }
0x78: {  	_ =	shalt  }
0x79: {  	_ =	shalt  }
0x7a: {  	_ =	shalt  }
0x7b: {  	_ =	shalt  }
0x7c: {  	_ =	shalt  }
0x7d: {  	_ =	shalt  }
0x7e: {  	_ =	shalt  }
0x7f: {  	_ =	shalt  }
0x80: {  	_ =	shalt  }
0x81: {  	_ =	shalt  }
0x82: {  	_ =	shalt  }
0x83: {  	_ =	shalt  }
0x84: {  	_ =	shalt  }
0x85: {  	_ =	shalt  }
0x86: {  	_ =	shalt  }
0x87: {  	_ =	shalt  }
.Lfunc_end0:
.L_simem_size_0:
called_computation_lowered:
.L_overlay_start_0:
0x88: {  	s2 =	sld [smem:$0x3FD9]  }
0x89: {  	s3 =	sld [smem:$0x3FFE];
	_ =	sdelay $0x1  }
0x8a: {  	s1 =	srdreg.scid  }
0x8b: {  	s0 =	sand.u32 $0x1, s1  }
0x8c: {  	s18 =	sshll.u32 s0, $0xA;
	s2 =	sadd.s32 s3, s2  }
0x8d: {  	s2 =	sadd.s32 s2, s18  }
0x8e: {  	[smem:$0x3FC6] =	sst s2  }
0x8f: {  	_ = 	snop  }
0x90: {  	s2 =	sld [smem:$0x3FC9]  }
0x91: {  	s19 =	sld [smem:$0x3FC8]  }
0x92: {  	s4 =	sld [smem:$0x3FD0];
	(tm) =	ssettm $0x1  }
0x93: {  	s5 =	sld [smem:$0x3FFB];
	_ =	sdelay $0x3  }
0x94: {  	_ =	strace s5  }
0x95: {  	s5 =	sld [smem:$0x3FFC];
	_ =	sdelay $0x3  }
0x96: {  	_ =	strace s5  }
0x97: {  	s5 =	sld [smem:$0x3FFD];
	_ =	sdelay $0x3  }
0x98: {  	_ =	strace s5  }
0x99: {  	_ =	strace $0x8FFFFFFF  }
0x9a: {  	s20 =	sld [smem:$0x3FDB];
	_ =	sdelay $0x1  }
0x9b: {  	s6 =	simm.s32 $_scs_section_size  }
0x9c: {  	s7 =	simm.s32 $_size__tile_overlayer_lowered;
	s8 =	simm.s32 $_tile_overlayer_lowered  }
0x9d: {  	s23 =	simm.s32 $0x1BFF;
	s22 =	sshll.u32 s8, $0x1;
	s5 =	sadd.s32 s6, s20  }
0x9e: {  	s9 =	simm.s32 $0x0;
	s21 =	sshll.u32 s7, $0x1;
	s7 =	sadd.s32 s22, s5  }
0x9f: {  	[timem:s9], [sflag:s23] =	dma.local [hbm:s7], s21  }
0xa0: {  	_ =	swait.ge [sflag:s23], s21  }
0xa1: {  	s6 =	ssub.s32 $0x0, s21;
	[sflag:s23] =	ssyncset.done $0x0  }
0xa2: {  	[sflag:s23] =	ssyncadd.s32 s6;
	_ =	sdelay $0x1  }
0xa3: {  	s24 =	simm.s32 $0x1B8B  }
0xa4: {  	_ =	swait.ge [sflag:s24], $0x1  }
0xa5: {  	[sflag:s24] =	ssyncset.done $0x0  }
0xa6: {  	s25 =	simm.s32 $0x1B8E;
	[sflag:s24] =	ssyncadd.s32 $0xFFFFFFFF  }
0xa7: {  	s26 =	simm.s32 $execute0_lowered;
	[smem:$0x3FD2] =	sst s25  }
0xa8: {  	s6 =	sshll.u32 s26, $0x1;
	_ =	strace $0x80000046;
	[dreg:$0x1] =	wrdreg $0xFFFFFFFF  }
0xa9: {  	s28 =	simm.s32 $_size_execute0_lowered;
	s5 =	sadd.s32 s5, s6;
	[dreg:$0x0] =	wrdreg $0x0  }
0xaa: {  	s6 =	sshll.u32 s28, $0x1;
	[dreg:$0x2] =	wrdreg s5  }
0xab: {  	[dreg:$0x3] =	wrdreg s6  }
0xac: {  	[dreg:$0x4] =	wrdreg $0xC0  }
0xad: {  	_ =	task [dreg:s9], $0x5FFFF  }
0xae: {  	[dreg:$0x1] =	wrdreg $0xFFFFFFFF  }
0xaf: {  	[dreg:$0x0] =	wrdreg $0x60  }
0xb0: {  	[dreg:$0x2] =	wrdreg s19  }
0xb1: {  	[dreg:$0x3] =	wrdreg s2  }
0xb2: {  	[dreg:$0x4] =	wrdreg s4  }
0xb3: {  	[dreg:$0x5] =	wrdreg $0x9  }
0xb4: {  	_ =	task.clear_ibuf [dreg:s9], $0x6FFFF;
	_ =	strace $0x90000046  }
0xb5: {  	s29 =	simm.s32 $0x9;
	_ =	strace $0x80000048  }
0xb6: {  	_ =	swait.ge [sflag:s29], $0x1  }
0xb7: {  	[sflag:s29] =	ssyncadd.s32 $0xFFFFFFFF  }
0xb8: {  	_ =	strace $0x90000048  }
0xb9: {  	_ =	sfence  }
0xba: {  	s30 =	sld [smem:$0x0];
	_ =	sdelay $0x2  }
0xbb: {  	s31 =	sshll.u32 s1, $0xD;
	s1 =	sshrl.u32 s1, $0x2  }
0xbc: {  	s3 =	sand.u32 $0x4000, s31;
	s1 =	sadd.s32 s1, s30  }
0xbd: {  	s0 =	sor.u32 s3, s0;
	s1 =	sshll.u32 s1, $0x11  }
0xbe: {  	s0 =	sor.u32 s1, s0  }
0xbf: {  	s0 =	sadd.s32 $0x8F2B, s0  }
0xc0: {  	[sflag:s0] =	ssyncadd.remote.s32 $0x1  }
0xc1: {  	_ =	sfence.sel $0xFFFF  }
0xc2: {  	[dreg:$0x0] =	wrdreg $0xFFFFFFFF;
	(pc) =	sbr.abs _section_cstart, $3  }
0xc3: {  	[dreg:$0x1] =	wrdreg $0xFFFFFFFF  }
0xc4: {  	_ =	task.clear_ibuf [dreg:s9], $0x2FFFF;
	_ =	strace $0x9FFFFFFF  }
0xc5: {  	(tm) =	ssettm $0x7FFFFFFF  }
tec
execute0_lowered:
.L_overlay_start_1:
0x0: {  	(tag) =	ssettag $0x1  }
0x1: {  	s1 =	rddreg [dreg:$0x0]  }
0x2: {  	s0 =	rddreg [dreg:$0x1]  }
0x3: {  	s3 =	rddreg [dreg:$0x2]  }
0x4: {  	s2 =	srdreg.scid;
	s5 =	stileid.u32;
	s4 =	simm.s32 $0x0  }
0x5: {  	s16 =	simm.s32 $0x80;
	s17 =	simm.s32 $0x1C00;
	s18 =	simm.s32 $0x5C00  }
0x6: {  	s20 =	simm.s32 $0x9C00;
	s22 =	simm.s32 $0xDC00;
	s23 =	simm.s32 $0x11C00  }
0x7: {  	s28 =	simm.s32 $0x4;
	s29 =	simm.s32 $0x5;
	s30 =	simm.s32 $0x6  }
0x8: {  	s31 =	simm.s32 $0x7;
	s12 =	simm.s32 $0xA;
	s2 =	sand.u32 $0x1, s2  }
0x9: {  	s13 =	simm.s32 $0x0;
	s5 =	sshll.u32 s5, $0x8;
	s6 =	sshll.u32 s2, $0x7  }
0xa: {  	[smem:$0x7FF] =	sst s4;
	s2 =	ssub.s32 $0x2, s2;
	s5 =	sor.u32 s6, s5  }
0xb: {  	_ =	strace $0x80000047;
	s24 =	sshrl.u32 s2, $0x1;
	s7 =	sadd.s32 s0, s5  }
0xc: {  	s25 =	ssub.s32 s2, s24;
	s24 =	simm.s32 $0x1;
	s2 =	simm.s32 $0x9  }
0xd: {  	[dreg:$0x4] =	wrdreg s7;
	s26 =	sadd.s32 $0x6000, s7;
	s7 =	sshll.u32 s5, $0x7  }
0xe: {  	s0 =	smax.u32 s25, $0x1;
	s25 =	simm.s32 $0x2;
	[dreg:$0x5] =	wrdreg s26  }
0xf: {  	s8 =	sor.u32 $0x80000, s7;
	s9 =	sor.u32 $0x100000, s7;
	s10 =	sor.u32 $0x180000, s7  }
0x10: {  	[dreg:$0x6] =	wrdreg s0;
	s26 =	simm.s32 $0x3;
	s0 =	simm.s32 $0x8  }
.LBB2_1:
0x11: {  	s5 =	rddreg [dreg:$0x4];
	s6 =	simm.s32 $0x400;
	s11 =	simm.s32 $0x8000  }
0x12: {  	[tilespmem:s4], [sflag:$0xB] =	stream.strided.gather [hbm4b:s5+s6], $0x1800, s11, s6, $0x38;
	[tilespmem:$0x15C00] =	vst v63  }
0x13: {  	s14 =	simm.s32 $0x1800;
	s15 =	simm.s32 $0xB;
	s11 =	rddreg [dreg:$0x5]  }
0x14: {  	[tilespmem:s14], [sflag:$0xB] =	stream.linear.gather [hbm4b:s11+s4], $0x100, $0x38;
	[tilespmem:$0x15C00] =	vst v63  }
0x15: {  	_ =	swait.ge [sflag:s15], $0x1900  }
0x16: {  	[sflag:s15] =	ssyncset.done $0x0  }
0x17: {  	[sflag:s15] =	ssyncadd.s32 $0xFFFFE700  }
0x18: {  	[tilespmem:s17], [sflag:$0x1] =	stream.indirect.gather [hbm4b:s1+s16], $0x80, s4, s16, $0xb8;
	[tilespmem:$0x15C00] =	vst v63  }
0x19: {  	_ = 	snop  }
0x1a: {  	[tilespmem:s18], [sflag:$0x2] =	stream.indirect.gather [hbm4b:s1+s16], $0x80, s16, s16, $0xb8;
	[tilespmem:$0x15C00] =	vst v63  }
0x1b: {  	s19 =	simm.s32 $0x100  }
0x1c: {  	[tilespmem:s20], [sflag:$0x3] =	stream.indirect.gather [hbm4b:s1+s16], $0x80, s19, s16, $0xb8;
	[tilespmem:$0x15C00] =	vst v63  }
0x1d: {  	s21 =	simm.s32 $0x180;
	s14 =	simm.s32 $0x0  }
0x1e: {  	[tilespmem:s22], [sflag:$0x4] =	stream.indirect.gather [hbm4b:s1+s16], $0x80, s21, s16, $0xb8;
	[tilespmem:$0x15C00] =	vst v63  }
.LBB2_2:
0x1f: {  	s5 =	smul.u32 $0x5, s14;
	p0 =	seq.s32 s14, $0x0  }
0x20: {  	s6 =	simm.s32 @!p0 $0xA  }
0x21: {  	_ =	swait.ge @!p0 [sflag:s6], $0x4000;
	s19 =	sadd.s32 $0x4, s5  }
0x22: {  	[sflag:s6] =	ssyncset.done @!p0 $0x0;
	s5 =	sshll.u32 s19, $0x7  }
0x23: {  	[sflag:s6] =	ssyncadd.s32 @!p0 $0xFFFFC000;
	s5 =	sand.u32 $0x3FFFFF80, s5  }
0x24: {  	[tilespmem:s23], [sflag:$0x5] =	stream.indirect.gather [hbm4b:s1+s16], $0x80, s5, s16, $0xb8;
	[tilespmem:$0x15C00] =	vst v63  }
0x25: {  	_ =	swait.ge [sflag:s24], $0x4000  }
0x26: {  	[sflag:s24] =	ssyncset.done $0x0  }
0x27: {  	s6 =	simm.s32 $0x1C80;
	[sflag:s24] =	ssyncadd.s32 $0xFFFFC000  }
0x28: {  	v0 =	vld [tilespmem:s6+$0x70]  }
0x29: {  	v1 =	vld [tilespmem:s6+$0xFFFFFF90]  }
0x2a: {  	v2 =	vld [tilespmem:s6+$0xFFFFFFA0]  }
0x2b: {  	v3 =	vld [tilespmem:s6+$0xFFFFFFB0]  }
0x2c: {  	v4 =	vld [tilespmem:s6+$0xFFFFFFC0]  }
0x2d: {  	v5 =	vld [tilespmem:s6+$0xFFFFFFD0];
	v0 =	vmul.f32 $1.131370830e+01, v0  }
0x2e: {  	v6 =	vld [tilespmem:s6+$0xFFFFFFE0];
	v1 =	vmul.f32 $1.131370830e+01, v1  }
0x2f: {  	v7 =	vld [tilespmem:s6+$0xFFFFFFF0];
	v2 =	vmul.f32 $1.131370830e+01, v2;
	[tilespmem:s6+$0x70] =	vst v0  }
0x30: {  	[tilespmem:s6+$0xFFFFFF90] =	vst v1;
	v0 =	vmul.f32 $1.131370830e+01, v3;
	v3 =	vld [tilespmem:s6+$0x0]  }
0x31: {  	[tilespmem:s6+$0xFFFFFFA0] =	vst v2;
	v1 =	vmul.f32 $1.131370830e+01, v4;
	v4 =	vld [tilespmem:s6+$0x10]  }
0x32: {  	v8 =	vld [tilespmem:s6+$0x20];
	v2 =	vmul.f32 $1.131370830e+01, v5;
	[tilespmem:s6+$0xFFFFFFB0] =	vst v0  }
0x33: {  	v5 =	vmul.f32 $1.131370830e+01, v6;
	[tilespmem:s6+$0xFFFFFFC0] =	vst v1;
	v0 =	vld [tilespmem:s6+$0x30]  }
0x34: {  	[tilespmem:s6+$0xFFFFFFD0] =	vst v2;
	v2 =	vmul.f32 $1.131370830e+01, v7;
	v1 =	vld [tilespmem:s6+$0x40]  }
0x35: {  	[tilespmem:s6+$0xFFFFFFE0] =	vst v5;
	v6 =	vmul.f32 $1.131370830e+01, v3;
	v3 =	vld [tilespmem:s6+$0x50]  }
0x36: {  	[tilespmem:s6+$0xFFFFFFF0] =	vst v2;
	v2 =	vld [tilespmem:s6+$0x60];
	v5 =	vmul.f32 $1.131370830e+01, v4  }
0x37: {  	s11 =	simm.s32 $0x0;
	s5 =	simm.s32 $0x1D80;
	v4 =	vld [tilespmem:s6+$0xFFFFFF80];
	[tilespmem:s6+$0x0] =	vst v6;
	v6 =	vmul.f32 $1.131370830e+01, v8  }
.LBB2_3:
0x38: {  	v7 =	vld [tilespmem:s5+$0x70];
	s11 =	sadd.s32 $0x2, s11;
	[tilespmem:s6+$0x10] =	vst v5;
	v0 =	vmul.f32 $1.131370830e+01, v0  }
0x39: {  	v5 =	vld [tilespmem:s5+$0xFFFFFF90];
	p0 =	slt.u32 s11, $0x7E;
	[tilespmem:s6+$0x20] =	vst v6;
	v1 =	vmul.f32 $1.131370830e+01, v1  }
0x3a: {  	v6 =	vld [tilespmem:s5+$0xFFFFFFA0];
	[tilespmem:s6+$0x30] =	vst v0;
	v0 =	vmul.f32 $1.131370830e+01, v3  }
0x3b: {  	v3 =	vld [tilespmem:s5+$0xFFFFFFB0];
	[tilespmem:s6+$0x40] =	vst v1;
	v1 =	vmul.f32 $1.131370830e+01, v2  }
0x3c: {  	v2 =	vld [tilespmem:s5+$0xFFFFFFC0];
	v4 =	vmul.f32 $1.131370830e+01, v4;
	[tilespmem:s6+$0x50] =	vst v0  }
0x3d: {  	v0 =	vld [tilespmem:s5+$0xFFFFFFD0];
	v7 =	vmul.f32 $1.131370830e+01, v7;
	[tilespmem:s6+$0x60] =	vst v1  }
0x3e: {  	v1 =	vmul.f32 $1.131370830e+01, v5;
	v5 =	vld [tilespmem:s5+$0xFFFFFFE0];
	[tilespmem:s6+$0xFFFFFF80] =	vst v4;
	s6 =	smov.u32 s5  }
0x3f: {  	v4 =	vmul.f32 $1.131370830e+01, v6;
	v6 =	vld [tilespmem:s5+$0xFFFFFFF0];
	[tilespmem:s5+$0x70] =	vst v7  }
0x40: {  	[tilespmem:s5+$0xFFFFFF90] =	vst v1;
	v1 =	vmul.f32 $1.131370830e+01, v3;
	v3 =	vld [tilespmem:s5+$0x0]  }
0x41: {  	[tilespmem:s5+$0xFFFFFFA0] =	vst v4;
	v2 =	vmul.f32 $1.131370830e+01, v2;
	v4 =	vld [tilespmem:s5+$0x10]  }
0x42: {  	[tilespmem:s5+$0xFFFFFFB0] =	vst v1;
	v1 =	vmul.f32 $1.131370830e+01, v0;
	v7 =	vld [tilespmem:s5+$0x20]  }
.Ltmp0:
0x43: {  	[tilespmem:s5+$0xFFFFFFC0] =	vst v2;
	v2 =	vmul.f32 $1.131370830e+01, v5;
	v0 =	vld [tilespmem:s5+$0x30];
	(pc) =	sbr.rel @p0 .LBB2_3-.Ltmp0, $4  }
0x44: {  	[tilespmem:s5+$0xFFFFFFD0] =	vst v1;
	v5 =	vmul.f32 $1.131370830e+01, v6;
	v1 =	vld [tilespmem:s5+$0x40]  }
0x45: {  	[tilespmem:s5+$0xFFFFFFE0] =	vst v2;
	v6 =	vmul.f32 $1.131370830e+01, v3;
	v3 =	vld [tilespmem:s5+$0x50]  }
0x46: {  	[tilespmem:s5+$0xFFFFFFF0] =	vst v5;
	v5 =	vmul.f32 $1.131370830e+01, v4;
	v2 =	vld [tilespmem:s5+$0x60]  }
0x47: {  	s5 =	sadd.s32 $0x100, s5;
	v4 =	vld [tilespmem:s6+$0xFFFFFF80];
	[tilespmem:s6+$0x0] =	vst v6;
	v6 =	vmul.f32 $1.131370830e+01, v7  }
0x48: {  	[tilespmem:s6+$0x10] =	vst v5;
	v0 =	vmul.f32 $1.131370830e+01, v0  }
0x49: {  	[tilespmem:s6+$0x20] =	vst v6;
	v1 =	vmul.f32 $1.131370830e+01, v1  }
0x4a: {  	s21 =	smul.u32 $0x280000, s14;
	[tilespmem:s6+$0x30] =	vst v0;
	v0 =	vmul.f32 $1.131370830e+01, v3  }
0x4b: {  	[tilespmem:s6+$0x40] =	vst v1;
	v1 =	vmul.f32 $1.131370830e+01, v2  }
0x4c: {  	s5 =	sor.u32 s7, s21;
	v2 =	vmul.f32 $1.131370830e+01, v4;
	[tilespmem:s6+$0x50] =	vst v0  }
0x4d: {  	s5 =	sshrl.u32 s5, $0x3;
	[tilespmem:s6+$0x60] =	vst v1  }
0x4e: {  	p0 =	seq.s32 s14, $0x9;
	s5 =	sadd.s32 s3, s5;
	[tilespmem:s6+$0xFFFFFF80] =	vst v2  }
0x4f: {  	[hbm4b:s5+s4] =	stream.linear.scatter [tilespmem:s17], [sflag:$0x6], $0x4000, $0x38;
	[tilespmem:$0x15C00] =	vst v63  }
0x50: {  	s6 =	smul.u32 @!p0 $0xA00, s14;
	s5 =	simm.s32 @!p0 $0x6  }
0x51: {  	_ =	swait.ge @!p0 [sflag:s5], $0x4000  }
0x52: {  	s11 =	simm.s32 @!p0 $0x80;
	s6 =	sshra.s32 @!p0 s6, $0x2;
	[sflag:s5] =	ssyncset.done @!p0 $0x0  }
0x53: {  	s15 =	simm.s32 @!p0 $0x1C00;
	[sflag:s5] =	ssyncadd.s32 @!p0 $0xFFFFC000;
	s5 =	sadd.s32 @!p0 $0x280, s6  }
0x54: {  	[tilespmem:s15], [sflag:$0x1] =	stream.indirect.gather @!p0 [hbm4b:s1+s11], $0x80, s5, s11, $0xb8;
	[tilespmem:$0x15C00] =	vst v63  }
0x55: {  	_ =	swait.ge [sflag:s25], $0x4000  }
0x56: {  	[sflag:s25] =	ssyncset.done $0x0  }
0x57: {  	s11 =	simm.s32 $0x5C80;
	[sflag:s25] =	ssyncadd.s32 $0xFFFFC000  }
0x58: {  	v0 =	vld [tilespmem:s11+$0x70]  }
0x59: {  	v1 =	vld [tilespmem:s11+$0xFFFFFF90]  }
0x5a: {  	v2 =	vld [tilespmem:s11+$0xFFFFFFA0]  }
0x5b: {  	v3 =	vld [tilespmem:s11+$0xFFFFFFB0]  }
0x5c: {  	v4 =	vld [tilespmem:s11+$0xFFFFFFC0]  }
0x5d: {  	v5 =	vld [tilespmem:s11+$0xFFFFFFD0];
	v0 =	vmul.f32 $1.131370830e+01, v0  }
0x5e: {  	v6 =	vld [tilespmem:s11+$0xFFFFFFE0];
	v1 =	vmul.f32 $1.131370830e+01, v1  }
0x5f: {  	v7 =	vld [tilespmem:s11+$0xFFFFFFF0];
	v2 =	vmul.f32 $1.131370830e+01, v2;
	[tilespmem:s11+$0x70] =	vst v0  }
0x60: {  	[tilespmem:s11+$0xFFFFFF90] =	vst v1;
	v0 =	vmul.f32 $1.131370830e+01, v3;
	v3 =	vld [tilespmem:s11+$0x0]  }
0x61: {  	[tilespmem:s11+$0xFFFFFFA0] =	vst v2;
	v1 =	vmul.f32 $1.131370830e+01, v4;
	v4 =	vld [tilespmem:s11+$0x10]  }
0x62: {  	v8 =	vld [tilespmem:s11+$0x20];
	v2 =	vmul.f32 $1.131370830e+01, v5;
	[tilespmem:s11+$0xFFFFFFB0] =	vst v0  }
0x63: {  	v5 =	vmul.f32 $1.131370830e+01, v6;
	[tilespmem:s11+$0xFFFFFFC0] =	vst v1;
	v0 =	vld [tilespmem:s11+$0x30]  }
0x64: {  	v6 =	vmul.f32 $1.131370830e+01, v7;
	[tilespmem:s11+$0xFFFFFFD0] =	vst v2;
	v1 =	vld [tilespmem:s11+$0x40]  }
0x65: {  	[tilespmem:s11+$0xFFFFFFE0] =	vst v5;
	v2 =	vld [tilespmem:s11+$0x50];
	v7 =	vmul.f32 $1.131370830e+01, v3  }
0x66: {  	[tilespmem:s11+$0xFFFFFFF0] =	vst v6;
	v3 =	vld [tilespmem:s11+$0x60];
	v5 =	vmul.f32 $1.131370830e+01, v4  }
0x67: {  	s5 =	simm.s32 $0x0;
	s15 =	simm.s32 $0x5D80;
	v6 =	vmul.f32 $1.131370830e+01, v8;
	v4 =	vld [tilespmem:s11+$0xFFFFFF80];
	[tilespmem:s11+$0x0] =	vst v7  }
.LBB2_5:
0x68: {  	v7 =	vld [tilespmem:s15+$0x70];
	s5 =	sadd.s32 $0x2, s5;
	[tilespmem:s11+$0x10] =	vst v5;
	v0 =	vmul.f32 $1.131370830e+01, v0  }
0x69: {  	v5 =	vld [tilespmem:s15+$0xFFFFFF90];
	p1 =	slt.u32 s5, $0x7E;
	[tilespmem:s11+$0x20] =	vst v6;
	v1 =	vmul.f32 $1.131370830e+01, v1  }
0x6a: {  	v6 =	vld [tilespmem:s15+$0xFFFFFFA0];
	[tilespmem:s11+$0x30] =	vst v0;
	v0 =	vmul.f32 $1.131370830e+01, v2  }
0x6b: {  	v2 =	vld [tilespmem:s15+$0xFFFFFFB0];
	[tilespmem:s11+$0x40] =	vst v1;
	v1 =	vmul.f32 $1.131370830e+01, v3  }
0x6c: {  	v3 =	vld [tilespmem:s15+$0xFFFFFFC0];
	v4 =	vmul.f32 $1.131370830e+01, v4;
	[tilespmem:s11+$0x50] =	vst v0  }
0x6d: {  	v0 =	vld [tilespmem:s15+$0xFFFFFFD0];
	v7 =	vmul.f32 $1.131370830e+01, v7;
	[tilespmem:s11+$0x60] =	vst v1  }
0x6e: {  	v1 =	vmul.f32 $1.131370830e+01, v5;
	v5 =	vld [tilespmem:s15+$0xFFFFFFE0];
	[tilespmem:s11+$0xFFFFFF80] =	vst v4;
	s11 =	smov.u32 s15  }
0x6f: {  	v4 =	vmul.f32 $1.131370830e+01, v6;
	v6 =	vld [tilespmem:s15+$0xFFFFFFF0];
	[tilespmem:s15+$0x70] =	vst v7  }
0x70: {  	[tilespmem:s15+$0xFFFFFF90] =	vst v1;
	v1 =	vmul.f32 $1.131370830e+01, v2;
	v2 =	vld [tilespmem:s15+$0x0]  }
0x71: {  	[tilespmem:s15+$0xFFFFFFA0] =	vst v4;
	v3 =	vmul.f32 $1.131370830e+01, v3;
	v4 =	vld [tilespmem:s15+$0x10]  }
0x72: {  	[tilespmem:s15+$0xFFFFFFB0] =	vst v1;
	v1 =	vmul.f32 $1.131370830e+01, v0;
	v7 =	vld [tilespmem:s15+$0x20]  }
.Ltmp1:
0x73: {  	[tilespmem:s15+$0xFFFFFFC0] =	vst v3;
	v3 =	vmul.f32 $1.131370830e+01, v5;
	v0 =	vld [tilespmem:s15+$0x30];
	(pc) =	sbr.rel @p1 .LBB2_5-.Ltmp1, $4  }
0x74: {  	[tilespmem:s15+$0xFFFFFFD0] =	vst v1;
	v5 =	vmul.f32 $1.131370830e+01, v6;
	v1 =	vld [tilespmem:s15+$0x40]  }
0x75: {  	[tilespmem:s15+$0xFFFFFFE0] =	vst v3;
	v6 =	vmul.f32 $1.131370830e+01, v2;
	v2 =	vld [tilespmem:s15+$0x50]  }
0x76: {  	[tilespmem:s15+$0xFFFFFFF0] =	vst v5;
	v5 =	vmul.f32 $1.131370830e+01, v4;
	v3 =	vld [tilespmem:s15+$0x60]  }
0x77: {  	s15 =	sadd.s32 $0x100, s15;
	v4 =	vld [tilespmem:s11+$0xFFFFFF80];
	[tilespmem:s11+$0x0] =	vst v6;
	v6 =	vmul.f32 $1.131370830e+01, v7  }
0x78: {  	[tilespmem:s11+$0x10] =	vst v5;
	v0 =	vmul.f32 $1.131370830e+01, v0  }
0x79: {  	[tilespmem:s11+$0x20] =	vst v6;
	v1 =	vmul.f32 $1.131370830e+01, v1  }
0x7a: {  	[tilespmem:s11+$0x30] =	vst v0;
	v0 =	vmul.f32 $1.131370830e+01, v2  }
0x7b: {  	[tilespmem:s11+$0x40] =	vst v1;
	v1 =	vmul.f32 $1.131370830e+01, v3  }
0x7c: {  	s5 =	sadd.s32 s8, s21;
	v2 =	vmul.f32 $1.131370830e+01, v4;
	[tilespmem:s11+$0x50] =	vst v0  }
0x7d: {  	s5 =	sshrl.u32 s5, $0x3;
	[tilespmem:s11+$0x60] =	vst v1  }
0x7e: {  	s5 =	sadd.s32 s3, s5;
	[tilespmem:s11+$0xFFFFFF80] =	vst v2  }
0x7f: {  	[hbm4b:s5+s4] =	stream.linear.scatter [tilespmem:s18], [sflag:$0x7], $0x4000, $0x38;
	[tilespmem:$0x15C00] =	vst v63  }
0x80: {  	s5 =	simm.s32 @!p0 $0x7  }
0x81: {  	_ =	swait.ge @!p0 [sflag:s5], $0x4000  }
0x82: {  	s15 =	simm.s32 @!p0 $0x5C00;
	[sflag:s5] =	ssyncset.done @!p0 $0x0  }
0x83: {  	s11 =	simm.s32 @!p0 $0x80;
	[sflag:s5] =	ssyncadd.s32 @!p0 $0xFFFFC000;
	s5 =	sadd.s32 @!p0 $0x300, s6  }
0x84: {  	[tilespmem:s15], [sflag:$0x2] =	stream.indirect.gather @!p0 [hbm4b:s1+s11], $0x80, s5, s11, $0xb8;
	[tilespmem:$0x15C00] =	vst v63  }
0x85: {  	_ =	swait.ge [sflag:s26], $0x4000  }
0x86: {  	[sflag:s26] =	ssyncset.done $0x0  }
0x87: {  	s11 =	simm.s32 $0x9C80;
	[sflag:s26] =	ssyncadd.s32 $0xFFFFC000  }
0x88: {  	v0 =	vld [tilespmem:s11+$0x70]  }
0x89: {  	v1 =	vld [tilespmem:s11+$0xFFFFFF90]  }
0x8a: {  	v2 =	vld [tilespmem:s11+$0xFFFFFFA0]  }
0x8b: {  	v3 =	vld [tilespmem:s11+$0xFFFFFFB0]  }
0x8c: {  	v4 =	vld [tilespmem:s11+$0xFFFFFFC0]  }
0x8d: {  	v5 =	vld [tilespmem:s11+$0xFFFFFFD0];
	v0 =	vmul.f32 $1.131370830e+01, v0  }
0x8e: {  	v6 =	vld [tilespmem:s11+$0xFFFFFFE0];
	v1 =	vmul.f32 $1.131370830e+01, v1  }
0x8f: {  	v7 =	vld [tilespmem:s11+$0xFFFFFFF0];
	v2 =	vmul.f32 $1.131370830e+01, v2;
	[tilespmem:s11+$0x70] =	vst v0  }
0x90: {  	[tilespmem:s11+$0xFFFFFF90] =	vst v1;
	v0 =	vmul.f32 $1.131370830e+01, v3;
	v3 =	vld [tilespmem:s11+$0x0]  }
0x91: {  	[tilespmem:s11+$0xFFFFFFA0] =	vst v2;
	v1 =	vmul.f32 $1.131370830e+01, v4;
	v4 =	vld [tilespmem:s11+$0x10]  }
0x92: {  	v8 =	vld [tilespmem:s11+$0x20];
	v2 =	vmul.f32 $1.131370830e+01, v5;
	[tilespmem:s11+$0xFFFFFFB0] =	vst v0  }
0x93: {  	v5 =	vmul.f32 $1.131370830e+01, v6;
	[tilespmem:s11+$0xFFFFFFC0] =	vst v1;
	v0 =	vld [tilespmem:s11+$0x30]  }
0x94: {  	v6 =	vmul.f32 $1.131370830e+01, v7;
	[tilespmem:s11+$0xFFFFFFD0] =	vst v2;
	v1 =	vld [tilespmem:s11+$0x40]  }
0x95: {  	[tilespmem:s11+$0xFFFFFFE0] =	vst v5;
	v2 =	vld [tilespmem:s11+$0x50];
	v7 =	vmul.f32 $1.131370830e+01, v3  }
0x96: {  	[tilespmem:s11+$0xFFFFFFF0] =	vst v6;
	v3 =	vld [tilespmem:s11+$0x60];
	v5 =	vmul.f32 $1.131370830e+01, v4  }
0x97: {  	s5 =	simm.s32 $0x0;
	s15 =	simm.s32 $0x9D80;
	v6 =	vmul.f32 $1.131370830e+01, v8;
	v4 =	vld [tilespmem:s11+$0xFFFFFF80];
	[tilespmem:s11+$0x0] =	vst v7  }
.LBB2_7:
0x98: {  	v7 =	vld [tilespmem:s15+$0x70];
	s5 =	sadd.s32 $0x2, s5;
	[tilespmem:s11+$0x10] =	vst v5;
	v0 =	vmul.f32 $1.131370830e+01, v0  }
0x99: {  	v5 =	vld [tilespmem:s15+$0xFFFFFF90];
	p1 =	slt.u32 s5, $0x7E;
	[tilespmem:s11+$0x20] =	vst v6;
	v1 =	vmul.f32 $1.131370830e+01, v1  }
0x9a: {  	v6 =	vld [tilespmem:s15+$0xFFFFFFA0];
	[tilespmem:s11+$0x30] =	vst v0;
	v0 =	vmul.f32 $1.131370830e+01, v2  }
0x9b: {  	v2 =	vld [tilespmem:s15+$0xFFFFFFB0];
	[tilespmem:s11+$0x40] =	vst v1;
	v1 =	vmul.f32 $1.131370830e+01, v3  }
0x9c: {  	v3 =	vld [tilespmem:s15+$0xFFFFFFC0];
	v4 =	vmul.f32 $1.131370830e+01, v4;
	[tilespmem:s11+$0x50] =	vst v0  }
0x9d: {  	v0 =	vld [tilespmem:s15+$0xFFFFFFD0];
	v7 =	vmul.f32 $1.131370830e+01, v7;
	[tilespmem:s11+$0x60] =	vst v1  }
0x9e: {  	v1 =	vmul.f32 $1.131370830e+01, v5;
	v5 =	vld [tilespmem:s15+$0xFFFFFFE0];
	[tilespmem:s11+$0xFFFFFF80] =	vst v4;
	s11 =	smov.u32 s15  }
0x9f: {  	v4 =	vmul.f32 $1.131370830e+01, v6;
	v6 =	vld [tilespmem:s15+$0xFFFFFFF0];
	[tilespmem:s15+$0x70] =	vst v7  }
0xa0: {  	[tilespmem:s15+$0xFFFFFF90] =	vst v1;
	v1 =	vmul.f32 $1.131370830e+01, v2;
	v2 =	vld [tilespmem:s15+$0x0]  }
0xa1: {  	[tilespmem:s15+$0xFFFFFFA0] =	vst v4;
	v3 =	vmul.f32 $1.131370830e+01, v3;
	v4 =	vld [tilespmem:s15+$0x10]  }
0xa2: {  	[tilespmem:s15+$0xFFFFFFB0] =	vst v1;
	v1 =	vmul.f32 $1.131370830e+01, v0;
	v7 =	vld [tilespmem:s15+$0x20]  }
.Ltmp2:
0xa3: {  	[tilespmem:s15+$0xFFFFFFC0] =	vst v3;
	v3 =	vmul.f32 $1.131370830e+01, v5;
	v0 =	vld [tilespmem:s15+$0x30];
	(pc) =	sbr.rel @p1 .LBB2_7-.Ltmp2, $4  }
0xa4: {  	[tilespmem:s15+$0xFFFFFFD0] =	vst v1;
	v5 =	vmul.f32 $1.131370830e+01, v6;
	v1 =	vld [tilespmem:s15+$0x40]  }
0xa5: {  	[tilespmem:s15+$0xFFFFFFE0] =	vst v3;
	v6 =	vmul.f32 $1.131370830e+01, v2;
	v2 =	vld [tilespmem:s15+$0x50]  }
0xa6: {  	[tilespmem:s15+$0xFFFFFFF0] =	vst v5;
	v5 =	vmul.f32 $1.131370830e+01, v4;
	v3 =	vld [tilespmem:s15+$0x60]  }
0xa7: {  	s15 =	sadd.s32 $0x100, s15;
	v4 =	vld [tilespmem:s11+$0xFFFFFF80];
	[tilespmem:s11+$0x0] =	vst v6;
	v6 =	vmul.f32 $1.131370830e+01, v7  }
0xa8: {  	[tilespmem:s11+$0x10] =	vst v5;
	v0 =	vmul.f32 $1.131370830e+01, v0  }
0xa9: {  	[tilespmem:s11+$0x20] =	vst v6;
	v1 =	vmul.f32 $1.131370830e+01, v1  }
0xaa: {  	[tilespmem:s11+$0x30] =	vst v0;
	v0 =	vmul.f32 $1.131370830e+01, v2  }
0xab: {  	[tilespmem:s11+$0x40] =	vst v1;
	v1 =	vmul.f32 $1.131370830e+01, v3  }
0xac: {  	s5 =	sadd.s32 s9, s21;
	v2 =	vmul.f32 $1.131370830e+01, v4;
	[tilespmem:s11+$0x50] =	vst v0  }
0xad: {  	s5 =	sshrl.u32 s5, $0x3;
	[tilespmem:s11+$0x60] =	vst v1  }
0xae: {  	s5 =	sadd.s32 s3, s5;
	[tilespmem:s11+$0xFFFFFF80] =	vst v2  }
0xaf: {  	[hbm4b:s5+s4] =	stream.linear.scatter [tilespmem:s20], [sflag:$0x8], $0x4000, $0x38;
	[tilespmem:$0x15C00] =	vst v63  }
0xb0: {  	s5 =	simm.s32 @!p0 $0x8  }
0xb1: {  	_ =	swait.ge @!p0 [sflag:s5], $0x4000  }
0xb2: {  	s15 =	simm.s32 @!p0 $0x9C00;
	[sflag:s5] =	ssyncset.done @!p0 $0x0  }
0xb3: {  	s11 =	simm.s32 @!p0 $0x80;
	[sflag:s5] =	ssyncadd.s32 @!p0 $0xFFFFC000;
	s5 =	sadd.s32 @!p0 $0x380, s6  }
0xb4: {  	[tilespmem:s15], [sflag:$0x3] =	stream.indirect.gather @!p0 [hbm4b:s1+s11], $0x80, s5, s11, $0xb8;
	[tilespmem:$0x15C00] =	vst v63  }
0xb5: {  	_ =	swait.ge [sflag:s28], $0x4000  }
0xb6: {  	[sflag:s28] =	ssyncset.done $0x0  }
0xb7: {  	s11 =	simm.s32 $0xDC80;
	[sflag:s28] =	ssyncadd.s32 $0xFFFFC000  }
0xb8: {  	v0 =	vld [tilespmem:s11+$0x70]  }
0xb9: {  	v1 =	vld [tilespmem:s11+$0xFFFFFF90]  }
0xba: {  	v2 =	vld [tilespmem:s11+$0xFFFFFFA0]  }
0xbb: {  	v3 =	vld [tilespmem:s11+$0xFFFFFFB0]  }
0xbc: {  	v4 =	vld [tilespmem:s11+$0xFFFFFFC0]  }
0xbd: {  	v5 =	vld [tilespmem:s11+$0xFFFFFFD0];
	v0 =	vmul.f32 $1.131370830e+01, v0  }
0xbe: {  	v6 =	vld [tilespmem:s11+$0xFFFFFFE0];
	v1 =	vmul.f32 $1.131370830e+01, v1  }
0xbf: {  	v7 =	vld [tilespmem:s11+$0xFFFFFFF0];
	v2 =	vmul.f32 $1.131370830e+01, v2;
	[tilespmem:s11+$0x70] =	vst v0  }
0xc0: {  	[tilespmem:s11+$0xFFFFFF90] =	vst v1;
	v0 =	vmul.f32 $1.131370830e+01, v3;
	v3 =	vld [tilespmem:s11+$0x0]  }
0xc1: {  	[tilespmem:s11+$0xFFFFFFA0] =	vst v2;
	v1 =	vmul.f32 $1.131370830e+01, v4;
	v4 =	vld [tilespmem:s11+$0x10]  }
0xc2: {  	v8 =	vld [tilespmem:s11+$0x20];
	v2 =	vmul.f32 $1.131370830e+01, v5;
	[tilespmem:s11+$0xFFFFFFB0] =	vst v0  }
0xc3: {  	v5 =	vmul.f32 $1.131370830e+01, v6;
	[tilespmem:s11+$0xFFFFFFC0] =	vst v1;
	v0 =	vld [tilespmem:s11+$0x30]  }
0xc4: {  	v6 =	vmul.f32 $1.131370830e+01, v7;
	[tilespmem:s11+$0xFFFFFFD0] =	vst v2;
	v1 =	vld [tilespmem:s11+$0x40]  }
0xc5: {  	[tilespmem:s11+$0xFFFFFFE0] =	vst v5;
	v2 =	vld [tilespmem:s11+$0x50];
	v7 =	vmul.f32 $1.131370830e+01, v3  }
0xc6: {  	[tilespmem:s11+$0xFFFFFFF0] =	vst v6;
	v3 =	vld [tilespmem:s11+$0x60];
	v5 =	vmul.f32 $1.131370830e+01, v4  }
0xc7: {  	s5 =	simm.s32 $0x0;
	s15 =	simm.s32 $0xDD80;
	v6 =	vmul.f32 $1.131370830e+01, v8;
	v4 =	vld [tilespmem:s11+$0xFFFFFF80];
	[tilespmem:s11+$0x0] =	vst v7  }
.LBB2_9:
0xc8: {  	v7 =	vld [tilespmem:s15+$0x70];
	s5 =	sadd.s32 $0x2, s5;
	[tilespmem:s11+$0x10] =	vst v5;
	v0 =	vmul.f32 $1.131370830e+01, v0  }
0xc9: {  	v5 =	vld [tilespmem:s15+$0xFFFFFF90];
	p1 =	slt.u32 s5, $0x7E;
	[tilespmem:s11+$0x20] =	vst v6;
	v1 =	vmul.f32 $1.131370830e+01, v1  }
0xca: {  	v6 =	vld [tilespmem:s15+$0xFFFFFFA0];
	[tilespmem:s11+$0x30] =	vst v0;
	v0 =	vmul.f32 $1.131370830e+01, v2  }
0xcb: {  	v2 =	vld [tilespmem:s15+$0xFFFFFFB0];
	[tilespmem:s11+$0x40] =	vst v1;
	v1 =	vmul.f32 $1.131370830e+01, v3  }
0xcc: {  	v3 =	vld [tilespmem:s15+$0xFFFFFFC0];
	v4 =	vmul.f32 $1.131370830e+01, v4;
	[tilespmem:s11+$0x50] =	vst v0  }
0xcd: {  	v0 =	vld [tilespmem:s15+$0xFFFFFFD0];
	v7 =	vmul.f32 $1.131370830e+01, v7;
	[tilespmem:s11+$0x60] =	vst v1  }
0xce: {  	v1 =	vmul.f32 $1.131370830e+01, v5;
	v5 =	vld [tilespmem:s15+$0xFFFFFFE0];
	[tilespmem:s11+$0xFFFFFF80] =	vst v4;
	s11 =	smov.u32 s15  }
0xcf: {  	v4 =	vmul.f32 $1.131370830e+01, v6;
	v6 =	vld [tilespmem:s15+$0xFFFFFFF0];
	[tilespmem:s15+$0x70] =	vst v7  }
0xd0: {  	[tilespmem:s15+$0xFFFFFF90] =	vst v1;
	v1 =	vmul.f32 $1.131370830e+01, v2;
	v2 =	vld [tilespmem:s15+$0x0]  }
0xd1: {  	[tilespmem:s15+$0xFFFFFFA0] =	vst v4;
	v3 =	vmul.f32 $1.131370830e+01, v3;
	v4 =	vld [tilespmem:s15+$0x10]  }
0xd2: {  	[tilespmem:s15+$0xFFFFFFB0] =	vst v1;
	v1 =	vmul.f32 $1.131370830e+01, v0;
	v7 =	vld [tilespmem:s15+$0x20]  }
.Ltmp3:
0xd3: {  	[tilespmem:s15+$0xFFFFFFC0] =	vst v3;
	v3 =	vmul.f32 $1.131370830e+01, v5;
	v0 =	vld [tilespmem:s15+$0x30];
	(pc) =	sbr.rel @p1 .LBB2_9-.Ltmp3, $4  }
0xd4: {  	[tilespmem:s15+$0xFFFFFFD0] =	vst v1;
	v5 =	vmul.f32 $1.131370830e+01, v6;
	v1 =	vld [tilespmem:s15+$0x40]  }
0xd5: {  	[tilespmem:s15+$0xFFFFFFE0] =	vst v3;
	v6 =	vmul.f32 $1.131370830e+01, v2;
	v2 =	vld [tilespmem:s15+$0x50]  }
0xd6: {  	[tilespmem:s15+$0xFFFFFFF0] =	vst v5;
	v5 =	vmul.f32 $1.131370830e+01, v4;
	v3 =	vld [tilespmem:s15+$0x60]  }
0xd7: {  	s15 =	sadd.s32 $0x100, s15;
	v4 =	vld [tilespmem:s11+$0xFFFFFF80];
	[tilespmem:s11+$0x0] =	vst v6;
	v6 =	vmul.f32 $1.131370830e+01, v7  }
0xd8: {  	[tilespmem:s11+$0x10] =	vst v5;
	v0 =	vmul.f32 $1.131370830e+01, v0  }
0xd9: {  	[tilespmem:s11+$0x20] =	vst v6;
	v1 =	vmul.f32 $1.131370830e+01, v1  }
0xda: {  	[tilespmem:s11+$0x30] =	vst v0;
	v0 =	vmul.f32 $1.131370830e+01, v2  }
0xdb: {  	[tilespmem:s11+$0x40] =	vst v1;
	v1 =	vmul.f32 $1.131370830e+01, v3  }
0xdc: {  	s5 =	sadd.s32 s10, s21;
	v2 =	vmul.f32 $1.131370830e+01, v4;
	[tilespmem:s11+$0x50] =	vst v0  }
0xdd: {  	s5 =	sshrl.u32 s5, $0x3;
	[tilespmem:s11+$0x60] =	vst v1  }
0xde: {  	s5 =	sadd.s32 s3, s5;
	[tilespmem:s11+$0xFFFFFF80] =	vst v2  }
0xdf: {  	[hbm4b:s5+s4] =	stream.linear.scatter [tilespmem:s22], [sflag:$0x9], $0x4000, $0x38;
	[tilespmem:$0x15C00] =	vst v63  }
0xe0: {  	s5 =	simm.s32 @!p0 $0x9  }
0xe1: {  	_ =	swait.ge @!p0 [sflag:s5], $0x4000  }
0xe2: {  	s11 =	simm.s32 @!p0 $0xDC00;
	[sflag:s5] =	ssyncset.done @!p0 $0x0  }
0xe3: {  	[sflag:s5] =	ssyncadd.s32 @!p0 $0xFFFFC000;
	s5 =	sadd.s32 @!p0 $0x400, s6;
	s6 =	simm.s32 @!p0 $0x80  }
0xe4: {  	[tilespmem:s11], [sflag:$0x4] =	stream.indirect.gather @!p0 [hbm4b:s1+s6], $0x80, s5, s6, $0xb8;
	[tilespmem:$0x15C00] =	vst v63  }
0xe5: {  	_ =	swait.ge [sflag:s29], $0x4000  }
0xe6: {  	[sflag:s29] =	ssyncset.done $0x0  }
0xe7: {  	s6 =	simm.s32 $0x11C80;
	[sflag:s29] =	ssyncadd.s32 $0xFFFFC000  }
0xe8: {  	v0 =	vld [tilespmem:s6+$0x70]  }
0xe9: {  	v1 =	vld [tilespmem:s6+$0xFFFFFF90]  }
0xea: {  	v2 =	vld [tilespmem:s6+$0xFFFFFFA0]  }
0xeb: {  	v3 =	vld [tilespmem:s6+$0xFFFFFFB0]  }
0xec: {  	v4 =	vld [tilespmem:s6+$0xFFFFFFC0]  }
0xed: {  	v5 =	vld [tilespmem:s6+$0xFFFFFFD0];
	v0 =	vmul.f32 $1.131370830e+01, v0  }
0xee: {  	v6 =	vld [tilespmem:s6+$0xFFFFFFE0];
	v1 =	vmul.f32 $1.131370830e+01, v1  }
0xef: {  	v7 =	vld [tilespmem:s6+$0xFFFFFFF0];
	v2 =	vmul.f32 $1.131370830e+01, v2;
	[tilespmem:s6+$0x70] =	vst v0  }
0xf0: {  	[tilespmem:s6+$0xFFFFFF90] =	vst v1;
	v0 =	vmul.f32 $1.131370830e+01, v3;
	v3 =	vld [tilespmem:s6+$0x0]  }
0xf1: {  	[tilespmem:s6+$0xFFFFFFA0] =	vst v2;
	v1 =	vmul.f32 $1.131370830e+01, v4;
	v4 =	vld [tilespmem:s6+$0x10]  }
0xf2: {  	v8 =	vld [tilespmem:s6+$0x20];
	v2 =	vmul.f32 $1.131370830e+01, v5;
	[tilespmem:s6+$0xFFFFFFB0] =	vst v0  }
0xf3: {  	v5 =	vmul.f32 $1.131370830e+01, v6;
	[tilespmem:s6+$0xFFFFFFC0] =	vst v1;
	v0 =	vld [tilespmem:s6+$0x30]  }
0xf4: {  	v6 =	vmul.f32 $1.131370830e+01, v7;
	[tilespmem:s6+$0xFFFFFFD0] =	vst v2;
	v1 =	vld [tilespmem:s6+$0x40]  }
0xf5: {  	[tilespmem:s6+$0xFFFFFFE0] =	vst v5;
	v2 =	vld [tilespmem:s6+$0x50];
	v7 =	vmul.f32 $1.131370830e+01, v3  }
0xf6: {  	[tilespmem:s6+$0xFFFFFFF0] =	vst v6;
	v3 =	vld [tilespmem:s6+$0x60];
	v5 =	vmul.f32 $1.131370830e+01, v4  }
0xf7: {  	s5 =	simm.s32 $0x0;
	s11 =	simm.s32 $0x11D80;
	v6 =	vmul.f32 $1.131370830e+01, v8;
	v4 =	vld [tilespmem:s6+$0xFFFFFF80];
	[tilespmem:s6+$0x0] =	vst v7  }
.LBB2_11:
0xf8: {  	v7 =	vld [tilespmem:s11+$0x70];
	s5 =	sadd.s32 $0x2, s5;
	[tilespmem:s6+$0x10] =	vst v5;
	v0 =	vmul.f32 $1.131370830e+01, v0  }
0xf9: {  	v5 =	vld [tilespmem:s11+$0xFFFFFF90];
	p0 =	slt.u32 s5, $0x7E;
	[tilespmem:s6+$0x20] =	vst v6;
	v1 =	vmul.f32 $1.131370830e+01, v1  }
0xfa: {  	v6 =	vld [tilespmem:s11+$0xFFFFFFA0];
	[tilespmem:s6+$0x30] =	vst v0;
	v0 =	vmul.f32 $1.131370830e+01, v2  }
0xfb: {  	v2 =	vld [tilespmem:s11+$0xFFFFFFB0];
	[tilespmem:s6+$0x40] =	vst v1;
	v1 =	vmul.f32 $1.131370830e+01, v3  }
0xfc: {  	v3 =	vld [tilespmem:s11+$0xFFFFFFC0];
	v4 =	vmul.f32 $1.131370830e+01, v4;
	[tilespmem:s6+$0x50] =	vst v0  }
0xfd: {  	v0 =	vld [tilespmem:s11+$0xFFFFFFD0];
	v7 =	vmul.f32 $1.131370830e+01, v7;
	[tilespmem:s6+$0x60] =	vst v1  }
0xfe: {  	v1 =	vmul.f32 $1.131370830e+01, v5;
	v5 =	vld [tilespmem:s11+$0xFFFFFFE0];
	[tilespmem:s6+$0xFFFFFF80] =	vst v4;
	s6 =	smov.u32 s11  }
0xff: {  	v4 =	vmul.f32 $1.131370830e+01, v6;
	v6 =	vld [tilespmem:s11+$0xFFFFFFF0];
	[tilespmem:s11+$0x70] =	vst v7  }
0x100: {  	[tilespmem:s11+$0xFFFFFF90] =	vst v1;
	v1 =	vmul.f32 $1.131370830e+01, v2;
	v2 =	vld [tilespmem:s11+$0x0]  }
0x101: {  	[tilespmem:s11+$0xFFFFFFA0] =	vst v4;
	v3 =	vmul.f32 $1.131370830e+01, v3;
	v4 =	vld [tilespmem:s11+$0x10]  }
0x102: {  	[tilespmem:s11+$0xFFFFFFB0] =	vst v1;
	v1 =	vmul.f32 $1.131370830e+01, v0;
	v7 =	vld [tilespmem:s11+$0x20]  }
.Ltmp4:
0x103: {  	[tilespmem:s11+$0xFFFFFFC0] =	vst v3;
	v3 =	vmul.f32 $1.131370830e+01, v5;
	v0 =	vld [tilespmem:s11+$0x30];
	(pc) =	sbr.rel @p0 .LBB2_11-.Ltmp4, $4  }
0x104: {  	[tilespmem:s11+$0xFFFFFFD0] =	vst v1;
	v5 =	vmul.f32 $1.131370830e+01, v6;
	v1 =	vld [tilespmem:s11+$0x40]  }
0x105: {  	[tilespmem:s11+$0xFFFFFFE0] =	vst v3;
	v6 =	vmul.f32 $1.131370830e+01, v2;
	v2 =	vld [tilespmem:s11+$0x50]  }
0x106: {  	[tilespmem:s11+$0xFFFFFFF0] =	vst v5;
	v5 =	vmul.f32 $1.131370830e+01, v4;
	v3 =	vld [tilespmem:s11+$0x60]  }
0x107: {  	s11 =	sadd.s32 $0x100, s11;
	v4 =	vld [tilespmem:s6+$0xFFFFFF80];
	[tilespmem:s6+$0x0] =	vst v6;
	v6 =	vmul.f32 $1.131370830e+01, v7  }
0x108: {  	[tilespmem:s6+$0x10] =	vst v5;
	v0 =	vmul.f32 $1.131370830e+01, v0  }
0x109: {  	s14 =	sadd.s32 $0x1, s14;
	[tilespmem:s6+$0x20] =	vst v6;
	v1 =	vmul.f32 $1.131370830e+01, v1  }
0x10a: {  	p0 =	sne.s32 s14, $0xA;
	[tilespmem:s6+$0x30] =	vst v0;
	v61 =	vmul.f32 $1.131370830e+01, v2  }
.Ltmp5:
0x10b: {  	s5 =	sshll.u32 s19, $0x13;
	[tilespmem:s6+$0x40] =	vst v1;
	v62 =	vmul.f32 $1.131370830e+01, v3;
	(pc) =	sbr.rel @p0 .LBB2_2-.Ltmp5, $4  }
0x10c: {  	s5 =	sor.u32 s7, s5;
	v63 =	vmul.f32 $1.131370830e+01, v4;
	[tilespmem:s6+$0x50] =	vst v61  }
0x10d: {  	s5 =	sshrl.u32 s5, $0x3;
	[tilespmem:s6+$0x60] =	vst v62  }
0x10e: {  	s5 =	sadd.s32 s3, s5;
	[tilespmem:s6+$0xFFFFFF80] =	vst v63  }
0x10f: {  	[hbm4b:s5+s4] =	stream.linear.scatter [tilespmem:s23], [sflag:$0xA], $0x4000, $0x38;
	[tilespmem:$0x15C00] =	vst v63  }
0x110: {  	_ =	swait.ge [sflag:s30], $0x4000  }
0x111: {  	[sflag:s30] =	ssyncset.done $0x0  }
0x112: {  	[sflag:s30] =	ssyncadd.s32 $0xFFFFC000  }
0x113: {  	_ =	swait.ge [sflag:s31], $0x4000  }
0x114: {  	[sflag:s31] =	ssyncset.done $0x0  }
0x115: {  	[sflag:s31] =	ssyncadd.s32 $0xFFFFC000  }
0x116: {  	_ =	swait.ge [sflag:s0], $0x4000  }
0x117: {  	[sflag:s0] =	ssyncset.done $0x0  }
0x118: {  	[sflag:s0] =	ssyncadd.s32 $0xFFFFC000  }
0x119: {  	_ =	swait.ge [sflag:s2], $0x4000  }
0x11a: {  	[sflag:s2] =	ssyncset.done $0x0  }
0x11b: {  	[sflag:s2] =	ssyncadd.s32 $0xFFFFC000  }
0x11c: {  	_ =	swait.ge [sflag:s12], $0x4000  }
0x11d: {  	s13 =	sadd.s32 $0x1, s13;
	s5 =	rddreg [dreg:$0x6]  }
0x11e: {  	p0 =	sne.s32 s13, s5  }
.Ltmp6:
0x11f: {  	_ = 	snop;
	(pc) =	sbr.rel @p0 .LBB2_1-.Ltmp6, $3  }
0x120: {  	_ =	sdelay $0x1  }
0x121: {  	[sflag:s12] =	ssyncset.done $0x0  }
0x122: {  	[sflag:s12] =	ssyncadd.s32 $0xFFFFC000  }
0x123: {  	_ =	sfence.sel $0x180000  }
0x124: {  	[bflag:$0x0] =	sbarrier.arrive $0xFFFF  }
0x125: {  	_ =	strace $0x90000047  }
0x126: {  	s0 =	stileid.u32;
	[bflag:$0x2] =	sbarrier.arrive $0xFFFF  }
0x127: {  	p0 =	sne.s32 s0, $0x0;
	s0 =	rddreg [dreg:$0x3]  }
0x128: {  	s0 =	sadd.s32 @!p0 $0x100000, s0  }
0x129: {  	[sflag:s0] =	ssyncadd.tile.s32 @!p0 $0x1;
	_ =	shalt  }
.Lfunc_end2:
_tile_overlayer_lowered:
.L_overlay_start_2:
0x12a: {  	(tag) =	ssettag $0x2  }
0x12b: {  	s0 =	rddreg [dreg:$0x0];
	s2 =	stileid.u32  }
0x12c: {  	s1 =	rddreg [dreg:$0x1];
	p0 =	sne.s32 s2, $0x0  }
0x12d: {  	s3 =	rddreg [dreg:$0x2];
	[bflag:$0x3] =	sbarrier.arrive $0xFFFF;
	s2 =	simm.s32 @!p0 $0x1C0B  }
0x12e: {  	[timem:s3], [sflag:s2] =	dma.local @!p0 [hbm:s0], s1  }
0x12f: {  	s0 =	simm.s32 @!p0 $0xB  }
0x130: {  	_ =	swait.ge @!p0 [sflag:s0], s1  }
0x131: {  	s1 =	ssub.s32 @!p0 $0x0, s1;
	[sflag:s0] =	ssyncset.done @!p0 $0x0  }
0x132: {  	[sflag:s0] =	ssyncadd.s32 @!p0 s1  }
0x133: {  	[bflag:$0x3] =	sbarrier.arrive $0xFFFF  }
0x134: {  	_ =	shalt  }

</sc_bundles>
